<compile_context>
chip_gen: v7x
topology: tpu7x:2x2x1
jax: 0.10.2.dev20260603
libtpu: 0.0.44.dev20260713+nightly
codegen_flags: <defaults>
</compile_context>

<pallas_src>
import functools
import math

import jax
import jax.numpy as jnp
from jax import lax
from jax.experimental import pallas as pl
from jax.experimental.pallas import tpu as pltpu
from jax.experimental.pallas import tpu_sc as plsc

B, CH, H, W = 16, 85, 160, 160
HW = H * W
N, NC = 32, 80
NPTS = B * N
SLOTS = 48
OUTW = SLOTS * N

def _sc_gather_body(x3_hbm, cy_hbm, cx_hbm, out_hbm, cyv, cxv, qbuf, gvout,
                    semg):
    wid = lax.axis_index("s") * 2 + lax.axis_index("c")
    b = wid % 16
    c0 = (wid // 16) * SLOTS
    pltpu.sync_copy(cy_hbm.at[pl.ds(b * N, N)], cyv)
    pltpu.sync_copy(cx_hbm.at[pl.ds(b * N, N)], cxv)
    qbuf[pl.ds(0, 16)] = cyv[pl.ds(0, 16)] * W + cxv[pl.ds(0, 16)]
    qbuf[pl.ds(16, 16)] = cyv[pl.ds(16, 16)] * W + cxv[pl.ds(16, 16)]

    def chan(cs):
        c = c0 + cs
        return jnp.where(c > CH - 1, CH - 1, c)

    def fire(i, carry):
        pltpu.async_copy(x3_hbm.at[b, chan(i)].at[qbuf],
                         gvout.at[pl.ds(i * N, N)], semg)
        return carry

    lax.fori_loop(0, SLOTS, fire, 0)

    def drain(i, carry):
        pltpu.make_async_copy(x3_hbm.at[b, chan(i)].at[qbuf],
                              gvout.at[pl.ds(i * N, N)], semg).wait()
        return carry

    lax.fori_loop(0, SLOTS, drain, 0)
    pltpu.sync_copy(gvout, out_hbm.at[wid])


@functools.cache
def _sc_gather_kernel():
    mesh = plsc.VectorSubcoreMesh(core_axis_name="c", subcore_axis_name="s")
    return pl.kernel(
        _sc_gather_body,
        mesh=mesh,
        compiler_params=pltpu.CompilerParams(use_tc_tiling_on_sc=False),
        out_type=jax.ShapeDtypeStruct((32, OUTW), jnp.float32),
        scratch_types=[
            pltpu.VMEM((N,), jnp.int32),
            pltpu.VMEM((N,), jnp.int32),
            pltpu.VMEM((N,), jnp.int32),
            pltpu.VMEM((OUTW,), jnp.float32),
            pltpu.SemaphoreType.DMA,
        ],
    )


def _atan(x):
    a = jnp.abs(x)
    inv = a > 1.0
    t = jnp.where(inv, 1.0 / jnp.maximum(a, 1e-30), a)
    s = t * t
    p = t * (0.99997726 + s * (-0.33262347 + s * (0.19354346 + s * (
        -0.11643287 + s * (0.05265332 + s * (-0.01172120))))))
    p = jnp.where(inv, (math.pi / 2.0) - p, p)
    return jnp.where(x < 0.0, -p, p)


def _softplus(x):
    return jnp.maximum(x, 0.0) + jnp.log(1.0 + jnp.exp(-jnp.abs(x)))


def _tc_body(x_ref, g_ref, gtcf_ref, gtb_ref, cy_ref, cx_ref, cyc_ref,
             cxc_ref, out_ref):
    eps = 1e-10
    conf = x_ref[:, 0, :, :]
    neg_all = jnp.sum(_softplus(conf))

    cy32 = cy_ref[...]
    cx32 = cx_ref[...]
    bidx = lax.broadcasted_iota(jnp.int32, (B, N), 0)
    key = (bidx * H + cy32) * W + cx32
    bflat = lax.broadcasted_iota(jnp.int32, (1, NPTS), 1) // N
    keyflat = (bflat * H + cyc_ref[...]) * W + cxc_ref[...]
    eq3 = key[:, :, None] == keyflat.reshape(1, 1, NPTS)
    rowid = (bidx * N + lax.broadcasted_iota(jnp.int32, (B, N), 1))[:, :, None]
    colid = lax.broadcasted_iota(jnp.int32, (B, N, NPTS), 2)
    dup = jnp.any(eq3 & (colid < rowid), axis=2)
    uniq = jnp.where(dup, 0.0, 1.0)

    confc = g_ref[0:B, 0:N]
    sp_neg = _softplus(confc)
    sp_pos = sp_neg - confc
    pos_cnt = jnp.sum(uniq)
    conf_pos = jnp.sum(uniq * sp_pos) / jnp.maximum(pos_cnt, 1.0)
    conf_neg = (neg_all - jnp.sum(uniq * sp_neg)) / jnp.maximum(
        float(B * H * W) - pos_cnt, 1.0)

    l1, t1 = g_ref[0:B, N:2 * N], g_ref[0:B, 2 * N:3 * N]
    r1, b1 = g_ref[0:B, 3 * N:4 * N], g_ref[0:B, 4 * N:5 * N]
    l2, t2 = gtb_ref[:, 0, :], gtb_ref[:, 1, :]
    r2, b2 = gtb_ref[:, 2, :], gtb_ref[:, 3, :]
    w1, h1 = r1 - l1, b1 - t1
    w2, h2 = r2 - l2, b2 - t2
    inter = jnp.clip(jnp.minimum(r1, r2) - jnp.maximum(l1, l2), 0.0, None) * \
            jnp.clip(jnp.minimum(b1, b2) - jnp.maximum(t1, t2), 0.0, None)
    union = w1 * h1 + w2 * h2 - inter + eps
    iou = inter / union
    cw = jnp.maximum(r1, r2) - jnp.minimum(l1, l2)
    chh = jnp.maximum(b1, b2) - jnp.minimum(t1, t2)
    c2 = cw ** 2 + chh ** 2 + eps
    rho2 = ((l2 + r2 - l1 - r1) ** 2 + (b2 + t2 - b1 - t1) ** 2) / 4.0
    v = 4.0 / (math.pi ** 2) * (_atan(w2 / (h2 + eps)) - _atan(w1 / (h1 + eps))) ** 2
    alpha = v / (v - iou + (1.0 + eps))
    ciou = iou - (rho2 / c2 + v * alpha)
    bbox_loss = -jnp.sum(ciou) / float(NPTS)

    cls_loss = -jnp.sum(g_ref[...] * gtcf_ref[...]) / float(NPTS)

    total = conf_pos + conf_neg + bbox_loss + cls_loss
    out_ref[...] = jnp.reshape(total, (1, 1))


def _tc_loss(x, g2, gtcf, gtb3, cy32, cx32, cy_c, cx_c, interpret=False):
    return pl.pallas_call(
        _tc_body,
        grid=(1,),
        in_specs=[
            pl.BlockSpec((B, 1, H, W), lambda i: (0, 0, 0, 0)),
            pl.BlockSpec((32, OUTW), lambda i: (0, 0)),
            pl.BlockSpec((32, OUTW), lambda i: (0, 0)),
            pl.BlockSpec((B, 4, N), lambda i: (0, 0, 0)),
            pl.BlockSpec((B, N), lambda i: (0, 0)),
            pl.BlockSpec((B, N), lambda i: (0, 0)),
            pl.BlockSpec((1, NPTS), lambda i: (0, 0)),
            pl.BlockSpec((1, NPTS), lambda i: (0, 0)),
        ],
        out_specs=pl.BlockSpec((1, 1), lambda i: (0, 0)),
        out_shape=jax.ShapeDtypeStruct((1, 1), jnp.float32),
        interpret=interpret,
    )(x, g2, gtcf, gtb3, cy32, cx32, cy_c, cx_c)


def _build_gtcf(gt_cls):
    gtT = jnp.transpose(gt_cls, (0, 2, 1))
    z5 = jnp.zeros((B, 5, N), jnp.float32)
    a = jnp.concatenate([z5, gtT[:, :SLOTS - 5, :]], axis=1)
    z11 = jnp.zeros((B, SLOTS - (CH - SLOTS), N), jnp.float32)
    bm = jnp.concatenate([gtT[:, SLOTS - 5:, :], z11], axis=1)
    return jnp.concatenate([a, bm], axis=0).reshape(32, OUTW)


def kernel(x, gt_bbox, gt_cls, cy, cx):
    g2 = _sc_gather_kernel()(x.reshape(B, CH, HW), cy.reshape(-1),
                             cx.reshape(-1))
    out = _tc_loss(
        x, g2,
        _build_gtcf(gt_cls),
        jnp.transpose(gt_bbox, (0, 2, 1)),
        cy, cx,
        cy.reshape(1, NPTS), cx.reshape(1, NPTS),
    )
    return out[0, 0]

# --- scband reference (transcript-rebuilt; emitter-appended) ---
"""Pipeline reference for scband-progressive-loss-8830452760987 (READ-ONLY COPY).

The authoritative reference and input builder live on the scoring server;
editing this copy changes nothing except your own understanding.
"""

import math
import jax, jax.numpy as jnp
import numpy as np

B, CH, H, W = 16, 85, 160, 160
N, NC, STEP = 32, 80, 4


def _bce_logits_weighted_mean(logits, target, weights):
    # numerically stable BCEWithLogits, mean over weighted elements
    elem = jnp.maximum(logits, 0.0) - logits * target + jnp.log1p(jnp.exp(-jnp.abs(logits)))
    return jnp.sum(elem * weights) / jnp.maximum(jnp.sum(weights), 1.0)


def _ciou(box1, box2, eps=1e-10):
    # boxes in (l, t, r, b) format, shape [n, 4] -> ciou [n, 1]
    l1, t1, r1, b1 = jnp.split(box1, 4, axis=-1)
    l2, t2, r2, b2 = jnp.split(box2, 4, axis=-1)
    w1, h1 = r1 - l1, b1 - t1
    w2, h2 = r2 - l2, b2 - t2
    inter = jnp.clip(jnp.minimum(r1, r2) - jnp.maximum(l1, l2), 0.0, None) * \
            jnp.clip(jnp.minimum(b1, b2) - jnp.maximum(t1, t2), 0.0, None)
    union = w1 * h1 + w2 * h2 - inter + eps
    iou = inter / union
    cw = jnp.maximum(r1, r2) - jnp.minimum(l1, l2)
    ch = jnp.maximum(b1, b2) - jnp.minimum(t1, t2)
    c2 = cw ** 2 + ch ** 2 + eps
    rho2 = ((l2 + r2 - l1 - r1) ** 2 + (b2 + t2 - b1 - t1) ** 2) / 4.0
    v = 4.0 / (math.pi ** 2) * (jnp.arctan(w2 / (h2 + eps)) - jnp.arctan(w1 / (h1 + eps))) ** 2
    alpha = jax.lax.stop_gradient(v / (v - iou + (1.0 + eps)))
    return iou - (rho2 / c2 + v * alpha)


def setup_inputs(seed: int = 0) -> dict:
    key = jax.random.key(seed)
    ks = jax.random.split(key, 5)
    x = jax.random.normal(ks[0], (B, CH, H, W), dtype=jnp.float32)
    cxy = jax.random.uniform(ks[1], (B, N, 2), dtype=jnp.float32) * 600.0
    wh = jax.random.uniform(ks[2], (B, N, 2), dtype=jnp.float32) * 60.0 + 4.0
    gt_bbox = jnp.concatenate([cxy - wh / 2.0, cxy + wh / 2.0], axis=-1)
    gt_cls = jax.random.uniform(ks[3], (B, N, NC), dtype=jnp.float32)
    centers = jnp.clip(jnp.round(cxy / STEP).astype(jnp.int32), 0, H - 1)
    cx = centers[..., 0]
    cy = centers[..., 1]
    return {"x": x, "gt_bbox": gt_bbox, "gt_cls": gt_cls, "cy": cy, "cx": cx}


def reference(x, gt_bbox, gt_cls, cy, cx):
    b_idx = jnp.arange(B)[:, None]
    xt = jnp.transpose(x, (0, 2, 3, 1))          # [B, H, W, CH]
    gathered = xt[b_idx, cy, cx]                 # [B, N, CH] gather at GT centers
    pr_bbox = gathered[..., 1:5]
    pr_label = gathered[..., 5:]
    conf = x[:, 0, :, :]                         # [B, H, W]
    # scatter: mark matched center cells (mask == 2 path in original)
    mask = jnp.zeros((B, H, W), dtype=jnp.float32).at[b_idx, cy, cx].set(1.0)
    # conf loss: matched centers -> target 1, everything else -> target 0
    conf_pos = _bce_logits_weighted_mean(conf, jnp.ones_like(conf), mask)
    conf_neg = _bce_logits_weighted_mean(conf, jnp.zeros_like(conf), 1.0 - mask)
    # bbox loss: -mean(CIoU(pred, gt))
    cious = _ciou(pr_bbox.reshape(-1, 4), gt_bbox.reshape(-1, 4))
    bbox_loss = -jnp.mean(cious)
    # cls loss: -mean(sum(pred_logits * soft_gt))
    cls_loss = -jnp.mean(jnp.sum(pr_label * gt_cls, axis=-1))
    return conf_pos + conf_neg + bbox_loss + cls_loss

if __name__ == "__main__":
    import jax
    _d = setup_inputs()
    print(jax.jit(kernel)(*tuple(_d.values())))

</pallas_src>

<mosaic_0001>
#map = affine_map<(d0, d1) -> (0, 0, 0)>
#map1 = affine_map<(d0, d1) -> (0)>
#map2 = affine_map<(d0, d1) -> (0, 0)>
module attributes {stable_mosaic.version = 14 : i64} {
  func.func @_sc_gather_body(%arg0: i32, %arg1: i32, %arg2: memref<16x85x25600xf32, #tpu.memory_space<hbm>>, %arg3: memref<512xi32, #tpu.memory_space<hbm>>, %arg4: memref<512xi32, #tpu.memory_space<hbm>>, %arg5: memref<32x1536xf32, #tpu.memory_space<hbm>>, %arg6: memref<32xi32, #tpu.memory_space<vmem>>, %arg7: memref<32xi32, #tpu.memory_space<vmem>>, %arg8: memref<32xi32, #tpu.memory_space<vmem>>, %arg9: memref<1536xf32, #tpu.memory_space<vmem>>, %arg10: memref<!tpu.dma_semaphore, #tpu.memory_space<semaphore_mem>>) attributes {dimension_semantics = [#tpu.dimension_semantics<core_parallel>, #tpu.dimension_semantics<subcore_parallel>], iteration_bounds = array<i64: 2, 16>, scalar_prefetch = 0 : i64, scratch_operands = 5 : i64, tpu.core_type = #tpu.core_type<sc_vector_subcore>, window_params = [{transform_indices = #map}, {transform_indices = #map1}, {transform_indices = #map1}, {transform_indices = #map2}]} {
    %mul3A = arith.constant 2 : i32
    %mul3A_0 = arith.muli %arg1, %mul3A : i32
    %add3A = arith.addi %mul3A_0, %arg0 : i32
    %jit3A = arith.constant 16 : i32
    %eq3A = arith.constant 0 : i32
    %eq3A_1 = arith.cmpi eq, %jit3A, %eq3A : i32
    %jit3A_2 = arith.constant 1 : i32
    %select_n3A = arith.select %eq3A_1, %jit3A_2, %jit3A : i32
    %rem3A = arith.remsi %add3A, %select_n3A : i32
    %ne3A = arith.constant 0 : i32
    %ne3A_3 = arith.cmpi ne, %rem3A, %ne3A : i32
    %lt3A = arith.constant 0 : i32
    %lt3A_4 = arith.cmpi slt, %rem3A, %lt3A : i32
    %lt3A_5 = arith.constant 0 : i32
    %lt3A_6 = arith.cmpi slt, %select_n3A, %lt3A_5 : i32
    %ne3A_7 = arith.xori %lt3A_4, %lt3A_6 : i1
    %and3A = arith.andi %ne3A_7, %ne3A_3 : i1
    %add3A_8 = arith.addi %rem3A, %select_n3A : i32
    %select_n3A_9 = arith.select %and3A, %add3A_8, %rem3A : i32
    %jit3A_10 = arith.constant 16 : i32
    %div3A = arith.divsi %add3A, %jit3A_10 : i32
    %sign3A = arith.constant 0 : i32
    %sign3A_11 = arith.cmpi sgt, %add3A, %sign3A : i32
    %sign3A_12 = arith.extui %sign3A_11 : i1 to i32
    %sign3A_13 = arith.constant 0 : i32
    %sign3A_14 = arith.cmpi slt, %add3A, %sign3A_13 : i32
    %sign3A_15 = arith.extui %sign3A_14 : i1 to i32
    %sign3A_16 = arith.subi %sign3A_12, %sign3A_15 : i32
    %sign3A_17 = arith.constant 0 : i32
    %sign3A_18 = arith.cmpi sgt, %jit3A_10, %sign3A_17 : i32
    %sign3A_19 = arith.extui %sign3A_18 : i1 to i32
    %sign3A_20 = arith.constant 0 : i32
    %sign3A_21 = arith.cmpi slt, %jit3A_10, %sign3A_20 : i32
    %sign3A_22 = arith.extui %sign3A_21 : i1 to i32
    %sign3A_23 = arith.subi %sign3A_19, %sign3A_22 : i32
    %ne3A_24 = arith.cmpi ne, %sign3A_16, %sign3A_23 : i32
    %rem3A_25 = arith.remsi %add3A, %jit3A_10 : i32
    %ne3A_26 = arith.constant 0 : i32
    %ne3A_27 = arith.cmpi ne, %rem3A_25, %ne3A_26 : i32
    %and3A_28 = arith.andi %ne3A_24, %ne3A_27 : i1
    %sub3A = arith.constant 1 : i32
    %sub3A_29 = arith.subi %div3A, %sub3A : i32
    %select_n3A_30 = arith.select %and3A_28, %sub3A_29, %div3A : i32
    %mul3A_31 = arith.constant 48 : i32
    %mul3A_32 = arith.muli %select_n3A_30, %mul3A_31 : i32
    %mul3A_33 = arith.constant 32 : i32
    %mul3A_34 = arith.muli %select_n3A_9, %mul3A_33 : i32
    "tpu.region"() ({
      %run_scoped3A = tpu.sem_alloc : memref<!tpu.dma_semaphore, #tpu.memory_space<semaphore_mem>>
      %dma_start3A = tpu.memref_slice %arg3[%mul3A_34] : memref<512xi32, #tpu.memory_space<hbm>> -> memref<32xi32, #tpu.memory_space<hbm>>
      %dma_start3A_74 = tpu.memref_slice %arg3[%mul3A_34] : memref<512xi32, #tpu.memory_space<hbm>> -> memref<32xi32, #tpu.memory_space<hbm>>
      tpu.enqueue_dma source(%dma_start3A_74 : memref<32xi32, #tpu.memory_space<hbm>>) target(%arg6 : memref<32xi32, #tpu.memory_space<vmem>>) target_semaphore(%run_scoped3A : memref<!tpu.dma_semaphore, #tpu.memory_space<semaphore_mem>>)
      %dma_wait3A = tpu.memref_slice %arg3[%mul3A_34] : memref<512xi32, #tpu.memory_space<hbm>> -> memref<32xi32, #tpu.memory_space<hbm>>
      %dma_wait3A_75 = tpu.memref_slice %arg3[%mul3A_34] : memref<512xi32, #tpu.memory_space<hbm>> -> memref<32xi32, #tpu.memory_space<hbm>>
      tpu.wait_dma2 semaphore(%run_scoped3A : memref<!tpu.dma_semaphore, #tpu.memory_space<semaphore_mem>>) src(%dma_wait3A_75 : memref<32xi32, #tpu.memory_space<hbm>>) dst(%arg6 : memref<32xi32, #tpu.memory_space<vmem>>)
      tpu.yield
    }) : () -> ()
    %mul3A_35 = arith.constant 32 : i32
    %mul3A_36 = arith.muli %select_n3A_9, %mul3A_35 : i32
    "tpu.region"() ({
      %run_scoped3A = tpu.sem_alloc : memref<!tpu.dma_semaphore, #tpu.memory_space<semaphore_mem>>
      %dma_start3A = tpu.memref_slice %arg4[%mul3A_36] : memref<512xi32, #tpu.memory_space<hbm>> -> memref<32xi32, #tpu.memory_space<hbm>>
      %dma_start3A_74 = tpu.memref_slice %arg4[%mul3A_36] : memref<512xi32, #tpu.memory_space<hbm>> -> memref<32xi32, #tpu.memory_space<hbm>>
      tpu.enqueue_dma source(%dma_start3A_74 : memref<32xi32, #tpu.memory_space<hbm>>) target(%arg7 : memref<32xi32, #tpu.memory_space<vmem>>) target_semaphore(%run_scoped3A : memref<!tpu.dma_semaphore, #tpu.memory_space<semaphore_mem>>)
      %dma_wait3A = tpu.memref_slice %arg4[%mul3A_36] : memref<512xi32, #tpu.memory_space<hbm>> -> memref<32xi32, #tpu.memory_space<hbm>>
      %dma_wait3A_75 = tpu.memref_slice %arg4[%mul3A_36] : memref<512xi32, #tpu.memory_space<hbm>> -> memref<32xi32, #tpu.memory_space<hbm>>
      tpu.wait_dma2 semaphore(%run_scoped3A : memref<!tpu.dma_semaphore, #tpu.memory_space<semaphore_mem>>) src(%dma_wait3A_75 : memref<32xi32, #tpu.memory_space<hbm>>) dst(%arg7 : memref<32xi32, #tpu.memory_space<vmem>>)
      tpu.yield
    }) : () -> ()
    %get3A = arith.constant 0 : index
    %get3A_37 = tpu.vector_load %arg6[%get3A] {strides = array<i32>} : memref<32xi32, #tpu.memory_space<vmem>>, vector<16xi32>,
    %get3A_38 = vector.shape_cast %get3A_37 : vector<16xi32> to vector<16xi32>
    %mul3A_39 = arith.constant 160 : i32
    %mul3A_40 = vector.broadcast %mul3A_39 : i32 to vector<16xi32>
    %mul3A_41 = arith.muli %get3A_38, %mul3A_40 : vector<16xi32>
    %get3A_42 = arith.constant 0 : index
    %get3A_43 = tpu.vector_load %arg7[%get3A_42] {strides = array<i32>} : memref<32xi32, #tpu.memory_space<vmem>>, vector<16xi32>,
    %get3A_44 = vector.shape_cast %get3A_43 : vector<16xi32> to vector<16xi32>
    %add3A_45 = arith.addi %mul3A_41, %get3A_44 : vector<16xi32>
    %swap3A = arith.constant 0 : index
    %swap3A_46 = tpu.vector_load %arg8[%swap3A] {strides = array<i32>} : memref<32xi32, #tpu.memory_space<vmem>>, vector<16xi32>,
    %swap3A_47 = vector.shape_cast %swap3A_46 : vector<16xi32> to vector<16xi32>
    %swap3A_48 = vector.shape_cast %add3A_45 : vector<16xi32> to vector<16xi32>
    tpu.vector_store %arg8[%swap3A], %swap3A_48 {strides = array<i32>} : memref<32xi32, #tpu.memory_space<vmem>>, vector<16xi32>,
    %get3A_49 = arith.constant 16 : index
    %get3A_50 = tpu.vector_load %arg6[%get3A_49] {strides = array<i32>} : memref<32xi32, #tpu.memory_space<vmem>>, vector<16xi32>,
    %get3A_51 = vector.shape_cast %get3A_50 : vector<16xi32> to vector<16xi32>
    %mul3A_52 = arith.constant 160 : i32
    %mul3A_53 = vector.broadcast %mul3A_52 : i32 to vector<16xi32>
    %mul3A_54 = arith.muli %get3A_51, %mul3A_53 : vector<16xi32>
    %get3A_55 = arith.constant 16 : index
    %get3A_56 = tpu.vector_load %arg7[%get3A_55] {strides = array<i32>} : memref<32xi32, #tpu.memory_space<vmem>>, vector<16xi32>,
    %get3A_57 = vector.shape_cast %get3A_56 : vector<16xi32> to vector<16xi32>
    %add3A_58 = arith.addi %mul3A_54, %get3A_57 : vector<16xi32>
    %swap3A_59 = arith.constant 16 : index
    %swap3A_60 = tpu.vector_load %arg8[%swap3A_59] {strides = array<i32>} : memref<32xi32, #tpu.memory_space<vmem>>, vector<16xi32>,
    %swap3A_61 = vector.shape_cast %swap3A_60 : vector<16xi32> to vector<16xi32>
    %swap3A_62 = vector.shape_cast %add3A_58 : vector<16xi32> to vector<16xi32>
    tpu.vector_store %arg8[%swap3A_59], %swap3A_62 {strides = array<i32>} : memref<32xi32, #tpu.memory_space<vmem>>, vector<16xi32>,
    %scan3A = arith.constant 0 : i32
    %scan3A_63 = arith.constant 0 : i32
    %scan3A_64 = arith.constant 48 : i32
    %scan3A_65 = arith.addi %scan3A_63, %scan3A_64 : i32
    %scan3A_66 = arith.constant 1 : i32
    scf.for %scan3A_74 = %scan3A_63 to %scan3A_65 step %scan3A_66  : i32 {
      %add3A_75 = arith.addi %mul3A_32, %scan3A_74 : i32
      %gt3A = arith.constant 84 : i32
      %gt3A_76 = arith.cmpi sgt, %add3A_75, %gt3A : i32
      %jit3A_77 = arith.constant 84 : i32
      %select_n3A_78 = arith.select %gt3A_76, %jit3A_77, %add3A_75 : i32
      %mul3A_79 = arith.constant 32 : i32
      %mul3A_80 = arith.muli %scan3A_74, %mul3A_79 : i32
      %dma_start3A = tpu.memref_slice %arg9[%mul3A_80] : memref<1536xf32, #tpu.memory_space<vmem>> -> memref<32xf32, #tpu.memory_space<vmem>>
      %dma_start3A_81 = arith.constant 0 : i32
      %dma_start3A_82 = tpu.memref_slice %arg2[%select_n3A_9, %select_n3A_78, %dma_start3A_81] : memref<16x85x25600xf32, #tpu.memory_space<hbm>> -> memref<1x1x25600xf32, #tpu.memory_space<hbm>>
      %dma_start3A_83 = tpu.memref_squeeze %dma_start3A_82 : memref<1x1x25600xf32, #tpu.memory_space<hbm>> -> memref<25600xf32, #tpu.memory_space<hbm>>
      %dma_start3A_84 = arith.constant 0 : i32
      %dma_start3A_85 = tpu.memref_slice %dma_start3A_83[%dma_start3A_84] : memref<25600xf32, #tpu.memory_space<hbm>> -> memref<25600xf32, #tpu.memory_space<hbm>>
      tpu.enqueue_indirect_dma source(%dma_start3A_85 : memref<25600xf32, #tpu.memory_space<hbm>>) target(%dma_start3A : memref<32xf32, #tpu.memory_space<vmem>>) offsets(%arg8 : memref<32xi32, #tpu.memory_space<vmem>>) semaphore(%arg10 : memref<!tpu.dma_semaphore, #tpu.memory_space<semaphore_mem>>)
    }
    %scan3A_67 = arith.constant 48 : i32
    %scan3A_68 = arith.constant 0 : i32
    %scan3A_69 = arith.constant 0 : i32
    %scan3A_70 = arith.constant 48 : i32
    %scan3A_71 = arith.addi %scan3A_69, %scan3A_70 : i32
    %scan3A_72 = arith.constant 1 : i32
    scf.for %scan3A_74 = %scan3A_69 to %scan3A_71 step %scan3A_72  : i32 {
      %add3A_75 = arith.addi %mul3A_32, %scan3A_74 : i32
      %gt3A = arith.constant 84 : i32
      %gt3A_76 = arith.cmpi sgt, %add3A_75, %gt3A : i32
      %jit3A_77 = arith.constant 84 : i32
      %select_n3A_78 = arith.select %gt3A_76, %jit3A_77, %add3A_75 : i32
      %mul3A_79 = arith.constant 32 : i32
      %mul3A_80 = arith.muli %scan3A_74, %mul3A_79 : i32
      %dma_wait3A = tpu.memref_slice %arg9[%mul3A_80] : memref<1536xf32, #tpu.memory_space<vmem>> -> memref<32xf32, #tpu.memory_space<vmem>>
      %dma_wait3A_81 = arith.constant 0 : i32
      %dma_wait3A_82 = tpu.memref_slice %arg2[%select_n3A_9, %select_n3A_78, %dma_wait3A_81] : memref<16x85x25600xf32, #tpu.memory_space<hbm>> -> memref<1x1x25600xf32, #tpu.memory_space<hbm>>
      %dma_wait3A_83 = tpu.memref_squeeze %dma_wait3A_82 : memref<1x1x25600xf32, #tpu.memory_space<hbm>> -> memref<25600xf32, #tpu.memory_space<hbm>>
      %dma_wait3A_84 = arith.constant 0 : i32
      %dma_wait3A_85 = tpu.memref_slice %dma_wait3A_83[%dma_wait3A_84] : memref<25600xf32, #tpu.memory_space<hbm>> -> memref<25600xf32, #tpu.memory_space<hbm>>
      tpu.wait_indirect_dma semaphore(%arg10 : memref<!tpu.dma_semaphore, #tpu.memory_space<semaphore_mem>>) src(%dma_wait3A_85 : memref<25600xf32, #tpu.memory_space<hbm>>) dst(%dma_wait3A : memref<32xf32, #tpu.memory_space<vmem>>)
    }
    %scan3A_73 = arith.constant 48 : i32
    "tpu.region"() ({
      %run_scoped3A = tpu.sem_alloc : memref<!tpu.dma_semaphore, #tpu.memory_space<semaphore_mem>>
      %dma_start3A = arith.constant 0 : i32
      %dma_start3A_74 = tpu.memref_slice %arg5[%add3A, %dma_start3A] : memref<32x1536xf32, #tpu.memory_space<hbm>> -> memref<1x1536xf32, #tpu.memory_space<hbm>>
      %dma_start3A_75 = tpu.memref_squeeze %dma_start3A_74 : memref<1x1536xf32, #tpu.memory_space<hbm>> -> memref<1536xf32, #tpu.memory_space<hbm>>
      %dma_start3A_76 = arith.constant 0 : i32
      %dma_start3A_77 = tpu.memref_slice %arg5[%add3A, %dma_start3A_76] : memref<32x1536xf32, #tpu.memory_space<hbm>> -> memref<1x1536xf32, #tpu.memory_space<hbm>>
      %dma_start3A_78 = tpu.memref_squeeze %dma_start3A_77 : memref<1x1536xf32, #tpu.memory_space<hbm>> -> memref<1536xf32, #tpu.memory_space<hbm>>
      tpu.enqueue_dma source(%arg9 : memref<1536xf32, #tpu.memory_space<vmem>>) target(%dma_start3A_78 : memref<1536xf32, #tpu.memory_space<hbm>>) target_semaphore(%run_scoped3A : memref<!tpu.dma_semaphore, #tpu.memory_space<semaphore_mem>>)
      %dma_wait3A = arith.constant 0 : i32
      %dma_wait3A_79 = tpu.memref_slice %arg5[%add3A, %dma_wait3A] : memref<32x1536xf32, #tpu.memory_space<hbm>> -> memref<1x1536xf32, #tpu.memory_space<hbm>>
      %dma_wait3A_80 = tpu.memref_squeeze %dma_wait3A_79 : memref<1x1536xf32, #tpu.memory_space<hbm>> -> memref<1536xf32, #tpu.memory_space<hbm>>
      %dma_wait3A_81 = arith.constant 0 : i32
      %dma_wait3A_82 = tpu.memref_slice %arg5[%add3A, %dma_wait3A_81] : memref<32x1536xf32, #tpu.memory_space<hbm>> -> memref<1x1536xf32, #tpu.memory_space<hbm>>
      %dma_wait3A_83 = tpu.memref_squeeze %dma_wait3A_82 : memref<1x1536xf32, #tpu.memory_space<hbm>> -> memref<1536xf32, #tpu.memory_space<hbm>>
      tpu.wait_dma2 semaphore(%run_scoped3A : memref<!tpu.dma_semaphore, #tpu.memory_space<semaphore_mem>>) src(%arg9 : memref<1536xf32, #tpu.memory_space<vmem>>) dst(%dma_wait3A_83 : memref<1536xf32, #tpu.memory_space<hbm>>)
      tpu.yield
    }) : () -> ()
    return
  }
}

module attributes {stable_mosaic.version = 14 : i64} {
  func.func @_tc_body(%arg0: i32, %arg1: memref<16x1x160x160xf32, #tpu.memory_space<vmem>>, %arg2: memref<32x1536xf32, #tpu.memory_space<vmem>>, %arg3: memref<32x1536xf32, #tpu.memory_space<vmem>>, %arg4: memref<16x4x32xf32, #tpu.memory_space<vmem>>, %arg5: memref<16x32xi32, #tpu.memory_space<vmem>>, %arg6: memref<16x32xi32, #tpu.memory_space<vmem>>, %arg7: memref<1x512xi32, #tpu.memory_space<vmem>>, %arg8: memref<1x512xi32, #tpu.memory_space<vmem>>, %arg9: memref<1x1xf32, #tpu.memory_space<vmem>>) attributes {dimension_semantics = [#tpu.dimension_semantics<arbitrary>], iteration_bounds = array<i64: 1>, scalar_prefetch = 0 : i64, scratch_operands = 0 : i64, tpu.core_type = #tpu.core_type<tc>, window_params = [{transform_indices = @transform_0, window_bounds = array<i64: 16, 1, 160, 160>}, {pipeline_mode = #tpu.pipeline_mode<synchronous>, transform_indices = @transform_1, window_bounds = array<i64: 32, 1536>}, {pipeline_mode = #tpu.pipeline_mode<synchronous>, transform_indices = @transform_2, window_bounds = array<i64: 32, 1536>}, {pipeline_mode = #tpu.pipeline_mode<synchronous>, transform_indices = @transform_3, window_bounds = array<i64: 16, 4, 32>}, {pipeline_mode = #tpu.pipeline_mode<synchronous>, transform_indices = @transform_4, window_bounds = array<i64: 16, 32>}, {pipeline_mode = #tpu.pipeline_mode<synchronous>, transform_indices = @transform_5, window_bounds = array<i64: 16, 32>}, {pipeline_mode = #tpu.pipeline_mode<synchronous>, transform_indices = @transform_6, window_bounds = array<i64: 1, 512>}, {pipeline_mode = #tpu.pipeline_mode<synchronous>, transform_indices = @transform_7, window_bounds = array<i64: 1, 512>}, {pipeline_mode = #tpu.pipeline_mode<synchronous>, transform_indices = @transform_8, window_bounds = array<i64: 1, 1>}]} {
    %get3A = arith.constant 0 : index
    %get3A_0 = arith.constant 0 : index
    %get3A_1 = arith.constant 0 : index
    %get3A_2 = arith.constant 0 : index
    %get3A_3 = vector.load %arg1[%get3A, %get3A_0, %get3A_1, %get3A_2] : memref<16x1x160x160xf32, #tpu.memory_space<vmem>>, vector<16x1x160x160xf32>
    %get3A_4 = vector.shape_cast %get3A_3 : vector<16x1x160x160xf32> to vector<16x160x160xf32>
    %max3A = arith.constant 0.000000e+00 : f32
    %max3A_5 = vector.broadcast %max3A : f32 to vector<16x160x160xf32>
    %max3A_6 = arith.maximumf %get3A_4, %max3A_5 : vector<16x160x160xf32>
    %abs3A = math.absf %get3A_4 : vector<16x160x160xf32>
    %neg3A = arith.constant 0.000000e+00 : f32
    %neg3A_7 = vector.broadcast %neg3A : f32 to vector<16x160x160xf32>
    %neg3A_8 = arith.subf %neg3A_7, %abs3A : vector<16x160x160xf32>
    %exp3A = math.exp %neg3A_8 : vector<16x160x160xf32>
    %add3A = arith.constant 1.000000e+00 : f32
    %add3A_9 = vector.broadcast %add3A : f32 to vector<16x160x160xf32>
    %add3A_10 = arith.addf %add3A_9, %exp3A : vector<16x160x160xf32>
    %log3A = math.log %add3A_10 : vector<16x160x160xf32>
    %add3A_11 = arith.addf %max3A_6, %log3A : vector<16x160x160xf32>
    %reduce_sum3A = vector.shape_cast %add3A_11 : vector<16x160x160xf32> to vector<1x16x160x160xf32>
    %reduce_sum3A_12 = arith.constant dense<0.000000e+00> : vector<1xf32>
    %reduce_sum3A_13 = vector.multi_reduction <add>, %reduce_sum3A, %reduce_sum3A_12 [1, 2, 3] : vector<1x16x160x160xf32> to vector<1xf32>
    %reduce_sum3A_14 = vector.shape_cast %reduce_sum3A_13 : vector<1xf32> to vector<1x1x1x1xf32>
    %reduce_sum3A_15 = vector.extract %reduce_sum3A_14[0, 0, 0, 0] : f32 from vector<1x1x1x1xf32>
    %get3A_16 = arith.constant 0 : index
    %get3A_17 = arith.constant 0 : index
    %get3A_18 = vector.load %arg5[%get3A_16, %get3A_17] : memref<16x32xi32, #tpu.memory_space<vmem>>, vector<16x32xi32>
    %get3A_19 = arith.constant 0 : index
    %get3A_20 = arith.constant 0 : index
    %get3A_21 = vector.load %arg6[%get3A_19, %get3A_20] : memref<16x32xi32, #tpu.memory_space<vmem>>, vector<16x32xi32>
    %iota3A = tpu.iota {dimensions = array<i32: 0>} : vector<16x32xi32>
    %mul3A = arith.constant 160 : i32
    %mul3A_22 = vector.broadcast %mul3A : i32 to vector<16x32xi32>
    %mul3A_23 = arith.muli %iota3A, %mul3A_22 : vector<16x32xi32>
    %add3A_24 = arith.addi %mul3A_23, %get3A_18 : vector<16x32xi32>
    %mul3A_25 = arith.constant 160 : i32
    %mul3A_26 = vector.broadcast %mul3A_25 : i32 to vector<16x32xi32>
    %mul3A_27 = arith.muli %add3A_24, %mul3A_26 : vector<16x32xi32>
    %add3A_28 = arith.addi %mul3A_27, %get3A_21 : vector<16x32xi32>
    %iota3A_29 = tpu.iota {dimensions = array<i32: 1>} : vector<1x512xi32>
    %jit3A = arith.constant 32 : i32
    %div3A = vector.broadcast %jit3A : i32 to vector<1x512xi32>
    %div3A_30 = arith.divsi %iota3A_29, %div3A : vector<1x512xi32>
    %sign3A = arith.constant 0 : i32
    %sign3A_31 = vector.broadcast %sign3A : i32 to vector<1x512xi32>
    %sign3A_32 = arith.cmpi sgt, %iota3A_29, %sign3A_31 : vector<1x512xi32>
    %sign3A_33 = arith.extui %sign3A_32 : vector<1x512xi1> to vector<1x512xi32>
    %sign3A_34 = arith.constant 0 : i32
    %sign3A_35 = vector.broadcast %sign3A_34 : i32 to vector<1x512xi32>
    %sign3A_36 = arith.cmpi slt, %iota3A_29, %sign3A_35 : vector<1x512xi32>
    %sign3A_37 = arith.extui %sign3A_36 : vector<1x512xi1> to vector<1x512xi32>
    %sign3A_38 = arith.subi %sign3A_33, %sign3A_37 : vector<1x512xi32>
    %sign3A_39 = arith.constant 0 : i32
    %sign3A_40 = arith.cmpi sgt, %jit3A, %sign3A_39 : i32
    %sign3A_41 = arith.extui %sign3A_40 : i1 to i32
    %sign3A_42 = arith.constant 0 : i32
    %sign3A_43 = arith.cmpi slt, %jit3A, %sign3A_42 : i32
    %sign3A_44 = arith.extui %sign3A_43 : i1 to i32
    %sign3A_45 = arith.subi %sign3A_41, %sign3A_44 : i32
    %ne3A = vector.broadcast %sign3A_45 : i32 to vector<1x512xi32>
    %ne3A_46 = arith.cmpi ne, %sign3A_38, %ne3A : vector<1x512xi32>
    %rem3A = vector.broadcast %jit3A : i32 to vector<1x512xi32>
    %rem3A_47 = arith.remsi %iota3A_29, %rem3A : vector<1x512xi32>
    %ne3A_48 = arith.constant 0 : i32
    %ne3A_49 = vector.broadcast %ne3A_48 : i32 to vector<1x512xi32>
    %ne3A_50 = arith.cmpi ne, %rem3A_47, %ne3A_49 : vector<1x512xi32>
    %and3A = arith.andi %ne3A_46, %ne3A_50 : vector<1x512xi1>
    %sub3A = arith.constant 1 : i32
    %sub3A_51 = vector.broadcast %sub3A : i32 to vector<1x512xi32>
    %sub3A_52 = arith.subi %div3A_30, %sub3A_51 : vector<1x512xi32>
    %select_n3A = arith.select %and3A, %sub3A_52, %div3A_30 : vector<1x512xi1>, vector<1x512xi32>
    %mul3A_53 = arith.constant 160 : i32
    %mul3A_54 = vector.broadcast %mul3A_53 : i32 to vector<1x512xi32>
    %mul3A_55 = arith.muli %select_n3A, %mul3A_54 : vector<1x512xi32>
    %get3A_56 = arith.constant 0 : index
    %get3A_57 = arith.constant 0 : index
    %get3A_58 = vector.load %arg7[%get3A_56, %get3A_57] : memref<1x512xi32, #tpu.memory_space<vmem>>, vector<1x512xi32>
    %add3A_59 = arith.addi %mul3A_55, %get3A_58 : vector<1x512xi32>
    %mul3A_60 = arith.constant 160 : i32
    %mul3A_61 = vector.broadcast %mul3A_60 : i32 to vector<1x512xi32>
    %mul3A_62 = arith.muli %add3A_59, %mul3A_61 : vector<1x512xi32>
    %get3A_63 = arith.constant 0 : index
    %get3A_64 = arith.constant 0 : index
    %get3A_65 = vector.load %arg8[%get3A_63, %get3A_64] : memref<1x512xi32, #tpu.memory_space<vmem>>, vector<1x512xi32>
    %add3A_66 = arith.addi %mul3A_62, %get3A_65 : vector<1x512xi32>
    %broadcast_in_dim3A = vector.shape_cast %add3A_28 : vector<16x32xi32> to vector<16x32x1xi32>
    %reshape3A = vector.shape_cast %add3A_66 : vector<1x512xi32> to vector<1x1x512xi32>
    %eq3A = vector.broadcast %broadcast_in_dim3A : vector<16x32x1xi32> to vector<16x32x512xi32>
    %eq3A_67 = vector.broadcast %reshape3A : vector<1x1x512xi32> to vector<16x32x512xi32>
    %eq3A_68 = arith.cmpi eq, %eq3A, %eq3A_67 : vector<16x32x512xi32>
    %mul3A_69 = arith.constant 32 : i32
    %mul3A_70 = vector.broadcast %mul3A_69 : i32 to vector<16x32xi32>
    %mul3A_71 = arith.muli %iota3A, %mul3A_70 : vector<16x32xi32>
    %iota3A_72 = tpu.iota {dimensions = array<i32: 1>} : vector<16x32xi32>
    %add3A_73 = arith.addi %mul3A_71, %iota3A_72 : vector<16x32xi32>
    %broadcast_in_dim3A_74 = vector.shape_cast %add3A_73 : vector<16x32xi32> to vector<16x32x1xi32>
    %iota3A_75 = tpu.iota {dimensions = array<i32: 2>} : vector<16x32x512xi32>
    %lt3A = vector.broadcast %broadcast_in_dim3A_74 : vector<16x32x1xi32> to vector<16x32x512xi32>
    %lt3A_76 = arith.cmpi slt, %iota3A_75, %lt3A : vector<16x32x512xi32>
    %and3A_77 = arith.andi %eq3A_68, %lt3A_76 : vector<16x32x512xi1>
    %reduce_or3A = arith.constant 1.000000e+00 : f32
    %reduce_or3A_78 = arith.constant 0.000000e+00 : f32
    %reduce_or3A_79 = vector.broadcast %reduce_or3A : f32 to vector<16x32x512xf32>
    %reduce_or3A_80 = vector.broadcast %reduce_or3A_78 : f32 to vector<16x32x512xf32>
    %reduce_or3A_81 = arith.select %and3A_77, %reduce_or3A_79, %reduce_or3A_80 : vector<16x32x512xi1>, vector<16x32x512xf32>
    %reduce_or3A_82 = arith.constant dense<0xFF800000> : vector<16x32xf32>
    %reduce_or3A_83 = vector.multi_reduction <maximumf>, %reduce_or3A_81, %reduce_or3A_82 [2] : vector<16x32x512xf32> to vector<16x32xf32>
    %reduce_or3A_84 = arith.constant 0.000000e+00 : f32
    %reduce_or3A_85 = vector.broadcast %reduce_or3A_84 : f32 to vector<16x32xf32>
    %reduce_or3A_86 = arith.cmpf ogt, %reduce_or3A_83, %reduce_or3A_85 : vector<16x32xf32>
    %jit3A_87 = arith.constant 0.000000e+00 : f32
    %jit3A_88 = arith.constant 1.000000e+00 : f32
    %broadcast_in_dim3A_89 = vector.broadcast %jit3A_87 : f32 to vector<16x32xf32>
    %broadcast_in_dim3A_90 = vector.broadcast %jit3A_88 : f32 to vector<16x32xf32>
    %select_n3A_91 = arith.select %reduce_or3A_86, %broadcast_in_dim3A_89, %broadcast_in_dim3A_90 : vector<16x32xi1>, vector<16x32xf32>
    %get3A_92 = arith.constant 0 : index
    %get3A_93 = arith.constant 0 : index
    %get3A_94 = vector.load %arg2[%get3A_92, %get3A_93] : memref<32x1536xf32, #tpu.memory_space<vmem>>, vector<16x32xf32>
    %max3A_95 = arith.constant 0.000000e+00 : f32
    %max3A_96 = vector.broadcast %max3A_95 : f32 to vector<16x32xf32>
    %max3A_97 = arith.maximumf %get3A_94, %max3A_96 : vector<16x32xf32>
    %abs3A_98 = math.absf %get3A_94 : vector<16x32xf32>
    %neg3A_99 = arith.constant 0.000000e+00 : f32
    %neg3A_100 = vector.broadcast %neg3A_99 : f32 to vector<16x32xf32>
    %neg3A_101 = arith.subf %neg3A_100, %abs3A_98 : vector<16x32xf32>
    %exp3A_102 = math.exp %neg3A_101 : vector<16x32xf32>
    %add3A_103 = arith.constant 1.000000e+00 : f32
    %add3A_104 = vector.broadcast %add3A_103 : f32 to vector<16x32xf32>
    %add3A_105 = arith.addf %add3A_104, %exp3A_102 : vector<16x32xf32>
    %log3A_106 = math.log %add3A_105 : vector<16x32xf32>
    %add3A_107 = arith.addf %max3A_97, %log3A_106 : vector<16x32xf32>
    %sub3A_108 = arith.subf %add3A_107, %get3A_94 : vector<16x32xf32>
    %reduce_sum3A_109 = vector.shape_cast %select_n3A_91 : vector<16x32xf32> to vector<1x16x32xf32>
    %reduce_sum3A_110 = arith.constant dense<0.000000e+00> : vector<1xf32>
    %reduce_sum3A_111 = vector.multi_reduction <add>, %reduce_sum3A_109, %reduce_sum3A_110 [1, 2] : vector<1x16x32xf32> to vector<1xf32>
    %reduce_sum3A_112 = vector.shape_cast %reduce_sum3A_111 : vector<1xf32> to vector<1x1x1xf32>
    %reduce_sum3A_113 = vector.extract %reduce_sum3A_112[0, 0, 0] : f32 from vector<1x1x1xf32>
    %mul3A_114 = arith.mulf %select_n3A_91, %sub3A_108 : vector<16x32xf32>
    %reduce_sum3A_115 = vector.shape_cast %mul3A_114 : vector<16x32xf32> to vector<1x16x32xf32>
    %reduce_sum3A_116 = arith.constant dense<0.000000e+00> : vector<1xf32>
    %reduce_sum3A_117 = vector.multi_reduction <add>, %reduce_sum3A_115, %reduce_sum3A_116 [1, 2] : vector<1x16x32xf32> to vector<1xf32>
    %reduce_sum3A_118 = vector.shape_cast %reduce_sum3A_117 : vector<1xf32> to vector<1x1x1xf32>
    %reduce_sum3A_119 = vector.extract %reduce_sum3A_118[0, 0, 0] : f32 from vector<1x1x1xf32>
    %max3A_120 = arith.constant 1.000000e+00 : f32
    %max3A_121 = arith.maximumf %reduce_sum3A_113, %max3A_120 : f32
    %div3A_122 = arith.divf %reduce_sum3A_119, %max3A_121 : f32
    %mul3A_123 = arith.mulf %select_n3A_91, %add3A_107 : vector<16x32xf32>
    %reduce_sum3A_124 = vector.shape_cast %mul3A_123 : vector<16x32xf32> to vector<1x16x32xf32>
    %reduce_sum3A_125 = arith.constant dense<0.000000e+00> : vector<1xf32>
    %reduce_sum3A_126 = vector.multi_reduction <add>, %reduce_sum3A_124, %reduce_sum3A_125 [1, 2] : vector<1x16x32xf32> to vector<1xf32>
    %reduce_sum3A_127 = vector.shape_cast %reduce_sum3A_126 : vector<1xf32> to vector<1x1x1xf32>
    %reduce_sum3A_128 = vector.extract %reduce_sum3A_127[0, 0, 0] : f32 from vector<1x1x1xf32>
    %sub3A_129 = arith.subf %reduce_sum3A_15, %reduce_sum3A_128 : f32
    %sub3A_130 = arith.constant 4.096000e+05 : f32
    %sub3A_131 = arith.subf %sub3A_130, %reduce_sum3A_113 : f32
    %max3A_132 = arith.constant 1.000000e+00 : f32
    %max3A_133 = arith.maximumf %sub3A_131, %max3A_132 : f32
    %div3A_134 = arith.divf %sub3A_129, %max3A_133 : f32
    %get3A_135 = arith.constant 0 : index
    %get3A_136 = arith.constant 32 : index
    %get3A_137 = vector.load %arg2[%get3A_135, %get3A_136] : memref<32x1536xf32, #tpu.memory_space<vmem>>, vector<16x32xf32>
    %get3A_138 = arith.constant 0 : index
    %get3A_139 = arith.constant 64 : index
    %get3A_140 = vector.load %arg2[%get3A_138, %get3A_139] : memref<32x1536xf32, #tpu.memory_space<vmem>>, vector<16x32xf32>
    %get3A_141 = arith.constant 0 : index
    %get3A_142 = arith.constant 96 : index
    %get3A_143 = vector.load %arg2[%get3A_141, %get3A_142] : memref<32x1536xf32, #tpu.memory_space<vmem>>, vector<16x32xf32>
    %get3A_144 = arith.constant 0 : index
    %get3A_145 = arith.constant 128 : index
    %get3A_146 = vector.load %arg2[%get3A_144, %get3A_145] : memref<32x1536xf32, #tpu.memory_space<vmem>>, vector<16x32xf32>
    %get3A_147 = arith.constant 0 : index
    %get3A_148 = arith.constant 0 : index
    %get3A_149 = arith.constant 0 : index
    %get3A_150 = vector.load %arg4[%get3A_147, %get3A_148, %get3A_149] : memref<16x4x32xf32, #tpu.memory_space<vmem>>, vector<16x1x32xf32>
    %get3A_151 = vector.shape_cast %get3A_150 : vector<16x1x32xf32> to vector<16x32xf32>
    %get3A_152 = arith.constant 0 : index
    %get3A_153 = arith.constant 1 : index
    %get3A_154 = arith.constant 0 : index
    %get3A_155 = vector.load %arg4[%get3A_152, %get3A_153, %get3A_154] : memref<16x4x32xf32, #tpu.memory_space<vmem>>, vector<16x1x32xf32>
    %get3A_156 = vector.shape_cast %get3A_155 : vector<16x1x32xf32> to vector<16x32xf32>
    %get3A_157 = arith.constant 0 : index
    %get3A_158 = arith.constant 2 : index
    %get3A_159 = arith.constant 0 : index
    %get3A_160 = vector.load %arg4[%get3A_157, %get3A_158, %get3A_159] : memref<16x4x32xf32, #tpu.memory_space<vmem>>, vector<16x1x32xf32>
    %get3A_161 = vector.shape_cast %get3A_160 : vector<16x1x32xf32> to vector<16x32xf32>
    %get3A_162 = arith.constant 0 : index
    %get3A_163 = arith.constant 3 : index
    %get3A_164 = arith.constant 0 : index
    %get3A_165 = vector.load %arg4[%get3A_162, %get3A_163, %get3A_164] : memref<16x4x32xf32, #tpu.memory_space<vmem>>, vector<16x1x32xf32>
    %get3A_166 = vector.shape_cast %get3A_165 : vector<16x1x32xf32> to vector<16x32xf32>
    %sub3A_167 = arith.subf %get3A_143, %get3A_137 : vector<16x32xf32>
    %sub3A_168 = arith.subf %get3A_146, %get3A_140 : vector<16x32xf32>
    %sub3A_169 = arith.subf %get3A_161, %get3A_151 : vector<16x32xf32>
    %sub3A_170 = arith.subf %get3A_166, %get3A_156 : vector<16x32xf32>
    %min3A = arith.minimumf %get3A_143, %get3A_161 : vector<16x32xf32>
    %max3A_171 = arith.maximumf %get3A_137, %get3A_151 : vector<16x32xf32>
    %sub3A_172 = arith.subf %min3A, %max3A_171 : vector<16x32xf32>
    %jit3A_173 = arith.constant 0.000000e+00 : f32
    %max3A_174 = vector.broadcast %jit3A_173 : f32 to vector<16x32xf32>
    %max3A_175 = arith.maximumf %max3A_174, %sub3A_172 : vector<16x32xf32>
    %min3A_176 = arith.minimumf %get3A_146, %get3A_166 : vector<16x32xf32>
    %max3A_177 = arith.maximumf %get3A_140, %get3A_156 : vector<16x32xf32>
    %sub3A_178 = arith.subf %min3A_176, %max3A_177 : vector<16x32xf32>
    %jit3A_179 = arith.constant 0.000000e+00 : f32
    %max3A_180 = vector.broadcast %jit3A_179 : f32 to vector<16x32xf32>
    %max3A_181 = arith.maximumf %max3A_180, %sub3A_178 : vector<16x32xf32>
    %mul3A_182 = arith.mulf %max3A_175, %max3A_181 : vector<16x32xf32>
    %mul3A_183 = arith.mulf %sub3A_167, %sub3A_168 : vector<16x32xf32>
    %mul3A_184 = arith.mulf %sub3A_169, %sub3A_170 : vector<16x32xf32>
    %add3A_185 = arith.addf %mul3A_183, %mul3A_184 : vector<16x32xf32>
    %sub3A_186 = arith.subf %add3A_185, %mul3A_182 : vector<16x32xf32>
    %add3A_187 = arith.constant 1.000000e-10 : f32
    %add3A_188 = vector.broadcast %add3A_187 : f32 to vector<16x32xf32>
    %add3A_189 = arith.addf %sub3A_186, %add3A_188 : vector<16x32xf32>
    %div3A_190 = arith.divf %mul3A_182, %add3A_189 : vector<16x32xf32>
    %max3A_191 = arith.maximumf %get3A_143, %get3A_161 : vector<16x32xf32>
    %min3A_192 = arith.minimumf %get3A_137, %get3A_151 : vector<16x32xf32>
    %sub3A_193 = arith.subf %max3A_191, %min3A_192 : vector<16x32xf32>
    %max3A_194 = arith.maximumf %get3A_146, %get3A_166 : vector<16x32xf32>
    %min3A_195 = arith.minimumf %get3A_140, %get3A_156 : vector<16x32xf32>
    %sub3A_196 = arith.subf %max3A_194, %min3A_195 : vector<16x32xf32>
    %integer_pow3A = arith.mulf %sub3A_193, %sub3A_193 : vector<16x32xf32>
    %integer_pow3A_197 = arith.mulf %sub3A_196, %sub3A_196 : vector<16x32xf32>
    %add3A_198 = arith.addf %integer_pow3A, %integer_pow3A_197 : vector<16x32xf32>
    %add3A_199 = arith.constant 1.000000e-10 : f32
    %add3A_200 = vector.broadcast %add3A_199 : f32 to vector<16x32xf32>
    %add3A_201 = arith.addf %add3A_198, %add3A_200 : vector<16x32xf32>
    %add3A_202 = arith.addf %get3A_151, %get3A_161 : vector<16x32xf32>
    %sub3A_203 = arith.subf %add3A_202, %get3A_137 : vector<16x32xf32>
    %sub3A_204 = arith.subf %sub3A_203, %get3A_143 : vector<16x32xf32>
    %integer_pow3A_205 = arith.mulf %sub3A_204, %sub3A_204 : vector<16x32xf32>
    %add3A_206 = arith.addf %get3A_166, %get3A_156 : vector<16x32xf32>
    %sub3A_207 = arith.subf %add3A_206, %get3A_146 : vector<16x32xf32>
    %sub3A_208 = arith.subf %sub3A_207, %get3A_140 : vector<16x32xf32>
    %integer_pow3A_209 = arith.mulf %sub3A_208, %sub3A_208 : vector<16x32xf32>
    %add3A_210 = arith.addf %integer_pow3A_205, %integer_pow3A_209 : vector<16x32xf32>
    %div3A_211 = arith.constant 4.000000e+00 : f32
    %div3A_212 = vector.broadcast %div3A_211 : f32 to vector<16x32xf32>
    %div3A_213 = arith.divf %add3A_210, %div3A_212 : vector<16x32xf32>
    %add3A_214 = arith.constant 1.000000e-10 : f32
    %add3A_215 = vector.broadcast %add3A_214 : f32 to vector<16x32xf32>
    %add3A_216 = arith.addf %sub3A_170, %add3A_215 : vector<16x32xf32>
    %div3A_217 = arith.divf %sub3A_169, %add3A_216 : vector<16x32xf32>
    %abs3A_218 = math.absf %div3A_217 : vector<16x32xf32>
    %gt3A = arith.constant 1.000000e+00 : f32
    %gt3A_219 = vector.broadcast %gt3A : f32 to vector<16x32xf32>
    %gt3A_220 = arith.cmpf ogt, %abs3A_218, %gt3A_219 : vector<16x32xf32>
    %max3A_221 = arith.constant 1.000000e-30 : f32
    %max3A_222 = vector.broadcast %max3A_221 : f32 to vector<16x32xf32>
    %max3A_223 = arith.maximumf %abs3A_218, %max3A_222 : vector<16x32xf32>
    %div3A_224 = arith.constant 1.000000e+00 : f32
    %div3A_225 = vector.broadcast %div3A_224 : f32 to vector<16x32xf32>
    %div3A_226 = arith.divf %div3A_225, %max3A_223 : vector<16x32xf32>
    %select_n3A_227 = arith.select %gt3A_220, %div3A_226, %abs3A_218 : vector<16x32xi1>, vector<16x32xf32>
    %mul3A_228 = arith.mulf %select_n3A_227, %select_n3A_227 : vector<16x32xf32>
    %mul3A_229 = arith.constant -1.172120e-02 : f32
    %mul3A_230 = vector.broadcast %mul3A_229 : f32 to vector<16x32xf32>
    %mul3A_231 = arith.mulf %mul3A_228, %mul3A_230 : vector<16x32xf32>
    %add3A_232 = arith.constant 0.0526533201 : f32
    %add3A_233 = vector.broadcast %add3A_232 : f32 to vector<16x32xf32>
    %add3A_234 = arith.addf %add3A_233, %mul3A_231 : vector<16x32xf32>
    %mul3A_235 = arith.mulf %mul3A_228, %add3A_234 : vector<16x32xf32>
    %add3A_236 = arith.constant -0.116432868 : f32
    %add3A_237 = vector.broadcast %add3A_236 : f32 to vector<16x32xf32>
    %add3A_238 = arith.addf %add3A_237, %mul3A_235 : vector<16x32xf32>
    %mul3A_239 = arith.mulf %mul3A_228, %add3A_238 : vector<16x32xf32>
    %add3A_240 = arith.constant 0.193543464 : f32
    %add3A_241 = vector.broadcast %add3A_240 : f32 to vector<16x32xf32>
    %add3A_242 = arith.addf %add3A_241, %mul3A_239 : vector<16x32xf32>
    %mul3A_243 = arith.mulf %mul3A_228, %add3A_242 : vector<16x32xf32>
    %add3A_244 = arith.constant -0.332623482 : f32
    %add3A_245 = vector.broadcast %add3A_244 : f32 to vector<16x32xf32>
    %add3A_246 = arith.addf %add3A_245, %mul3A_243 : vector<16x32xf32>
    %mul3A_247 = arith.mulf %mul3A_228, %add3A_246 : vector<16x32xf32>
    %add3A_248 = arith.constant 0.999977231 : f32
    %add3A_249 = vector.broadcast %add3A_248 : f32 to vector<16x32xf32>
    %add3A_250 = arith.addf %add3A_249, %mul3A_247 : vector<16x32xf32>
    %mul3A_251 = arith.mulf %select_n3A_227, %add3A_250 : vector<16x32xf32>
    %sub3A_252 = arith.constant 1.57079637 : f32
    %sub3A_253 = vector.broadcast %sub3A_252 : f32 to vector<16x32xf32>
    %sub3A_254 = arith.subf %sub3A_253, %mul3A_251 : vector<16x32xf32>
    %select_n3A_255 = arith.select %gt3A_220, %sub3A_254, %mul3A_251 : vector<16x32xi1>, vector<16x32xf32>
    %lt3A_256 = arith.constant 0.000000e+00 : f32
    %lt3A_257 = vector.broadcast %lt3A_256 : f32 to vector<16x32xf32>
    %lt3A_258 = arith.cmpf olt, %div3A_217, %lt3A_257 : vector<16x32xf32>
    %neg3A_259 = arith.constant 0.000000e+00 : f32
    %neg3A_260 = vector.broadcast %neg3A_259 : f32 to vector<16x32xf32>
    %neg3A_261 = arith.subf %neg3A_260, %select_n3A_255 : vector<16x32xf32>
    %select_n3A_262 = arith.select %lt3A_258, %neg3A_261, %select_n3A_255 : vector<16x32xi1>, vector<16x32xf32>
    %add3A_263 = arith.constant 1.000000e-10 : f32
    %add3A_264 = vector.broadcast %add3A_263 : f32 to vector<16x32xf32>
    %add3A_265 = arith.addf %sub3A_168, %add3A_264 : vector<16x32xf32>
    %div3A_266 = arith.divf %sub3A_167, %add3A_265 : vector<16x32xf32>
    %abs3A_267 = math.absf %div3A_266 : vector<16x32xf32>
    %gt3A_268 = arith.constant 1.000000e+00 : f32
    %gt3A_269 = vector.broadcast %gt3A_268 : f32 to vector<16x32xf32>
    %gt3A_270 = arith.cmpf ogt, %abs3A_267, %gt3A_269 : vector<16x32xf32>
    %max3A_271 = arith.constant 1.000000e-30 : f32
    %max3A_272 = vector.broadcast %max3A_271 : f32 to vector<16x32xf32>
    %max3A_273 = arith.maximumf %abs3A_267, %max3A_272 : vector<16x32xf32>
    %div3A_274 = arith.constant 1.000000e+00 : f32
    %div3A_275 = vector.broadcast %div3A_274 : f32 to vector<16x32xf32>
    %div3A_276 = arith.divf %div3A_275, %max3A_273 : vector<16x32xf32>
    %select_n3A_277 = arith.select %gt3A_270, %div3A_276, %abs3A_267 : vector<16x32xi1>, vector<16x32xf32>
    %mul3A_278 = arith.mulf %select_n3A_277, %select_n3A_277 : vector<16x32xf32>
    %mul3A_279 = arith.constant -1.172120e-02 : f32
    %mul3A_280 = vector.broadcast %mul3A_279 : f32 to vector<16x32xf32>
    %mul3A_281 = arith.mulf %mul3A_278, %mul3A_280 : vector<16x32xf32>
    %add3A_282 = arith.constant 0.0526533201 : f32
    %add3A_283 = vector.broadcast %add3A_282 : f32 to vector<16x32xf32>
    %add3A_284 = arith.addf %add3A_283, %mul3A_281 : vector<16x32xf32>
    %mul3A_285 = arith.mulf %mul3A_278, %add3A_284 : vector<16x32xf32>
    %add3A_286 = arith.constant -0.116432868 : f32
    %add3A_287 = vector.broadcast %add3A_286 : f32 to vector<16x32xf32>
    %add3A_288 = arith.addf %add3A_287, %mul3A_285 : vector<16x32xf32>
    %mul3A_289 = arith.mulf %mul3A_278, %add3A_288 : vector<16x32xf32>
    %add3A_290 = arith.constant 0.193543464 : f32
    %add3A_291 = vector.broadcast %add3A_290 : f32 to vector<16x32xf32>
    %add3A_292 = arith.addf %add3A_291, %mul3A_289 : vector<16x32xf32>
    %mul3A_293 = arith.mulf %mul3A_278, %add3A_292 : vector<16x32xf32>
    %add3A_294 = arith.constant -0.332623482 : f32
    %add3A_295 = vector.broadcast %add3A_294 : f32 to vector<16x32xf32>
    %add3A_296 = arith.addf %add3A_295, %mul3A_293 : vector<16x32xf32>
    %mul3A_297 = arith.mulf %mul3A_278, %add3A_296 : vector<16x32xf32>
    %add3A_298 = arith.constant 0.999977231 : f32
    %add3A_299 = vector.broadcast %add3A_298 : f32 to vector<16x32xf32>
    %add3A_300 = arith.addf %add3A_299, %mul3A_297 : vector<16x32xf32>
    %mul3A_301 = arith.mulf %select_n3A_277, %add3A_300 : vector<16x32xf32>
    %sub3A_302 = arith.constant 1.57079637 : f32
    %sub3A_303 = vector.broadcast %sub3A_302 : f32 to vector<16x32xf32>
    %sub3A_304 = arith.subf %sub3A_303, %mul3A_301 : vector<16x32xf32>
    %select_n3A_305 = arith.select %gt3A_270, %sub3A_304, %mul3A_301 : vector<16x32xi1>, vector<16x32xf32>
    %lt3A_306 = arith.constant 0.000000e+00 : f32
    %lt3A_307 = vector.broadcast %lt3A_306 : f32 to vector<16x32xf32>
    %lt3A_308 = arith.cmpf olt, %div3A_266, %lt3A_307 : vector<16x32xf32>
    %neg3A_309 = arith.constant 0.000000e+00 : f32
    %neg3A_310 = vector.broadcast %neg3A_309 : f32 to vector<16x32xf32>
    %neg3A_311 = arith.subf %neg3A_310, %select_n3A_305 : vector<16x32xf32>
    %select_n3A_312 = arith.select %lt3A_308, %neg3A_311, %select_n3A_305 : vector<16x32xi1>, vector<16x32xf32>
    %sub3A_313 = arith.subf %select_n3A_262, %select_n3A_312 : vector<16x32xf32>
    %integer_pow3A_314 = arith.mulf %sub3A_313, %sub3A_313 : vector<16x32xf32>
    %mul3A_315 = arith.constant 0.405284733 : f32
    %mul3A_316 = vector.broadcast %mul3A_315 : f32 to vector<16x32xf32>
    %mul3A_317 = arith.mulf %mul3A_316, %integer_pow3A_314 : vector<16x32xf32>
    %sub3A_318 = arith.subf %mul3A_317, %div3A_190 : vector<16x32xf32>
    %add3A_319 = arith.constant 1.000000e+00 : f32
    %add3A_320 = vector.broadcast %add3A_319 : f32 to vector<16x32xf32>
    %add3A_321 = arith.addf %sub3A_318, %add3A_320 : vector<16x32xf32>
    %div3A_322 = arith.divf %mul3A_317, %add3A_321 : vector<16x32xf32>
    %div3A_323 = arith.divf %div3A_213, %add3A_201 : vector<16x32xf32>
    %mul3A_324 = arith.mulf %mul3A_317, %div3A_322 : vector<16x32xf32>
    %add3A_325 = arith.addf %div3A_323, %mul3A_324 : vector<16x32xf32>
    %sub3A_326 = arith.subf %div3A_190, %add3A_325 : vector<16x32xf32>
    %reduce_sum3A_327 = vector.shape_cast %sub3A_326 : vector<16x32xf32> to vector<1x16x32xf32>
    %reduce_sum3A_328 = arith.constant dense<0.000000e+00> : vector<1xf32>
    %reduce_sum3A_329 = vector.multi_reduction <add>, %reduce_sum3A_327, %reduce_sum3A_328 [1, 2] : vector<1x16x32xf32> to vector<1xf32>
    %reduce_sum3A_330 = vector.shape_cast %reduce_sum3A_329 : vector<1xf32> to vector<1x1x1xf32>
    %reduce_sum3A_331 = vector.extract %reduce_sum3A_330[0, 0, 0] : f32 from vector<1x1x1xf32>
    %neg3A_332 = arith.constant 0.000000e+00 : f32
    %neg3A_333 = arith.subf %neg3A_332, %reduce_sum3A_331 : f32
    %div3A_334 = arith.constant 5.120000e+02 : f32
    %div3A_335 = arith.divf %neg3A_333, %div3A_334 : f32
    %get3A_336 = arith.constant 0 : index
    %get3A_337 = arith.constant 0 : index
    %get3A_338 = vector.load %arg2[%get3A_336, %get3A_337] : memref<32x1536xf32, #tpu.memory_space<vmem>>, vector<32x1536xf32>
    %get3A_339 = arith.constant 0 : index
    %get3A_340 = arith.constant 0 : index
    %get3A_341 = vector.load %arg3[%get3A_339, %get3A_340] : memref<32x1536xf32, #tpu.memory_space<vmem>>, vector<32x1536xf32>
    %mul3A_342 = arith.mulf %get3A_338, %get3A_341 : vector<32x1536xf32>
    %reduce_sum3A_343 = vector.shape_cast %mul3A_342 : vector<32x1536xf32> to vector<1x32x1536xf32>
    %reduce_sum3A_344 = arith.constant dense<0.000000e+00> : vector<1xf32>
    %reduce_sum3A_345 = vector.multi_reduction <add>, %reduce_sum3A_343, %reduce_sum3A_344 [1, 2] : vector<1x32x1536xf32> to vector<1xf32>
    %reduce_sum3A_346 = vector.shape_cast %reduce_sum3A_345 : vector<1xf32> to vector<1x1x1xf32>
    %reduce_sum3A_347 = vector.extract %reduce_sum3A_346[0, 0, 0] : f32 from vector<1x1x1xf32>
    %neg3A_348 = arith.constant 0.000000e+00 : f32
    %neg3A_349 = arith.subf %neg3A_348, %reduce_sum3A_347 : f32
    %div3A_350 = arith.constant 5.120000e+02 : f32
    %div3A_351 = arith.divf %neg3A_349, %div3A_350 : f32
    %add3A_352 = arith.addf %div3A_122, %div3A_134 : f32
    %add3A_353 = arith.addf %add3A_352, %div3A_335 : f32
    %add3A_354 = arith.addf %add3A_353, %div3A_351 : f32
    %reshape3A_355 = vector.broadcast %add3A_354 : f32 to vector<1x1xf32>
    %swap3A = arith.constant 0 : index
    %swap3A_356 = arith.constant 0 : index
    %swap3A_357 = vector.load %arg9[%swap3A, %swap3A_356] : memref<1x1xf32, #tpu.memory_space<vmem>>, vector<1x1xf32>
    tpu.vector_store %arg9[%swap3A, %swap3A_356], %reshape3A_355 {strides = array<i32>} : memref<1x1xf32, #tpu.memory_space<vmem>>, vector<1x1xf32>,
    return
  }
  func.func @transform_0(%arg0: i32) -> (i32, i32, i32, i32) {
    %c0_i32 = arith.constant 0 : i32
    %c0_i32_0 = arith.constant 0 : i32
    %c0_i32_1 = arith.constant 0 : i32
    %c0_i32_2 = arith.constant 0 : i32
    %c0_i32_3 = arith.constant 0 : i32
    return %c0_i32, %c0_i32_0, %c0_i32_1, %c0_i32_2 : i32, i32, i32, i32
  }
  func.func @transform_1(%arg0: i32) -> (i32, i32) {
    %c0_i32 = arith.constant 0 : i32
    %c0_i32_0 = arith.constant 0 : i32
    %c0_i32_1 = arith.constant 0 : i32
    return %c0_i32, %c0_i32_0 : i32, i32
  }
  func.func @transform_2(%arg0: i32) -> (i32, i32) {
    %c0_i32 = arith.constant 0 : i32
    %c0_i32_0 = arith.constant 0 : i32
    %c0_i32_1 = arith.constant 0 : i32
    return %c0_i32, %c0_i32_0 : i32, i32
  }
  func.func @transform_3(%arg0: i32) -> (i32, i32, i32) {
    %c0_i32 = arith.constant 0 : i32
    %c0_i32_0 = arith.constant 0 : i32
    %c0_i32_1 = arith.constant 0 : i32
    %c0_i32_2 = arith.constant 0 : i32
    return %c0_i32, %c0_i32_0, %c0_i32_1 : i32, i32, i32
  }
  func.func @transform_4(%arg0: i32) -> (i32, i32) {
    %c0_i32 = arith.constant 0 : i32
    %c0_i32_0 = arith.constant 0 : i32
    %c0_i32_1 = arith.constant 0 : i32
    return %c0_i32, %c0_i32_0 : i32, i32
  }
  func.func @transform_5(%arg0: i32) -> (i32, i32) {
    %c0_i32 = arith.constant 0 : i32
    %c0_i32_0 = arith.constant 0 : i32
    %c0_i32_1 = arith.constant 0 : i32
    return %c0_i32, %c0_i32_0 : i32, i32
  }
  func.func @transform_6(%arg0: i32) -> (i32, i32) {
    %c0_i32 = arith.constant 0 : i32
    %c0_i32_0 = arith.constant 0 : i32
    %c0_i32_1 = arith.constant 0 : i32
    return %c0_i32, %c0_i32_0 : i32, i32
  }
  func.func @transform_7(%arg0: i32) -> (i32, i32) {
    %c0_i32 = arith.constant 0 : i32
    %c0_i32_0 = arith.constant 0 : i32
    %c0_i32_1 = arith.constant 0 : i32
    return %c0_i32, %c0_i32_0 : i32, i32
  }
  func.func @transform_8(%arg0: i32) -> (i32, i32) {
    %c0_i32 = arith.constant 0 : i32
    %c0_i32_0 = arith.constant 0 : i32
    %c0_i32_1 = arith.constant 0 : i32
    return %c0_i32, %c0_i32_0 : i32, i32
  }
}

</mosaic_0001>

<sc_bundles>
// kernel: kernel.4.cloned.1.call-start
scs
__scs_entry_jumppad:
0x0: {  	(pc) =	sbr.rel $0x88, $3  }
0x1: {  	(tag) =	ssettag $0x0;
	lr =	simm.s32 $0x1  }
0x2: {  	[smem:$0x3F9C] =	sst lr;
	_ =	strace $0xD0000000  }
0x3: {  	_ = 	snop  }
0x4: {  	_ = 	snop  }
0x5: {  	_ = 	snop  }
0x6: {  	_ = 	snop  }
0x7: {  	_ = 	snop  }
__scs_overlays_trampoline_lowered:
0x8: {  	[smem:$0x3FAB] =	sst s0  }
0x9: {  	[smem:$0x3FAC] =	sst s1  }
0xa: {  	[smem:$0x3FAD] =	sst s2  }
0xb: {  	[smem:$0x3FAE] =	sst s3  }
0xc: {  	[smem:$0x3FAF] =	sst s4  }
0xd: {  	[smem:$0x3FB0] =	sst s5  }
0xe: {  	[smem:$0x3FB1] =	sst s6  }
0xf: {  	[smem:$0x3FB2] =	sst s7  }
0x10: {  	[smem:$0x3FB3] =	sst s8  }
0x11: {  	[smem:$0x3FB4] =	sst s9;
	s0 =	simm.s32 @!p0 $0x0  }
0x12: {  	s1 =	sld [smem:$0x3F9A];
	s0 =	simm.s32 @p0 $0x1  }
0x13: {  	[smem:$0x3FB5] =	sst s0;
	s0 =	simm.s32 @!p1 $0x0  }
0x14: {  	s2 =	sld [smem:$0x3F99];
	s0 =	simm.s32 @p1 $0x1  }
0x15: {  	[smem:$0x3FB6] =	sst s0;
	s0 =	simm.s32 @!p2 $0x0  }
0x16: {  	s3 =	sld [smem:$0x3FDB];
	s0 =	simm.s32 @p2 $0x1  }
0x17: {  	s4 =	simm.s32 $0x1BF5;
	[smem:$0x3FB8] =	sst s0  }
0x18: {  	s0 =	sld [smem:$0x3F9B];
	_ =	swait.ge [sflag:s4], $0x0  }
0x19: {  	s7 =	sld [smem:$0x3F9C]  }
0x1a: {  	s8 =	sadd.s32 $0xFFFFE003, lr  }
0x1b: {  	s9 =	sadd.s32 $0xFFFFFEF7, lr;
	s5 =	simm.s32 $0xFFFFFFFF;
	p2 =	slt.u32 s8, $0xFFFFF086  }
0x1c: {  	p1 =	slt.u32 s9, $0xF7A;
	s5 =	simm.s32 @!p2 $0x0  }
0x1d: {  	s5 =	simm.s32 @p1 $0x1;
	p0 =	seq.s32 s7, s2  }
0x1e: {  	s7 =	smul.u32 @!p0 $0xF7A, s2;
	p2 =	seq.s32 @!p0 s5, $0x0  }
0x1f: {  	s9 =	smul.u32 $0xF7A, s1;
	s8 =	simm.s32 @!p0 $0x1BF5;
	p2 =	por !p2, p0  }
0x20: {  	[sflag:s8] =	ssyncset.s32 @!p0 $0xFFFFF086;
	s6 =	sadd.s32 @!p0 s3, s7;
	s7 =	simm.s32 @!p0 $0x108  }
0x21: {  	s3 =	sadd.s32 s3, s9;
	s6 =	sadd.s32 @!p0 $0x88, s6;
	s7 =	simm.s32 @p2 $0x1082  }
0x22: {  	[simem:s7], [sflag:s8] =	dma.local @!p0 [hbm:s6], $0xF7A  }
0x23: {  	s9 =	sor.u32 $0xD0000000, s2;
	s6 =	simm.s32 $0x108;
	_ =	swait.ge @!p0 [sflag:s8], $0x0  }
0x24: {  	s3 =	sadd.s32 $0x88, s3;
	s6 =	simm.s32 @!p1 $0x1082;
	[sflag:s4] =	ssyncset.s32 $0xFFFFF086  }
0x25: {  	[simem:s6], [sflag:s4] =	dma.local [hbm:s3], $0xF7A  }
0x26: {  	[smem:$0x3F9C] =	sst s1;
	(tag) =	ssettag s2;
	_ =	strace s9  }
0x27: {  	s1 =	sld [smem:$0x3FAC]  }
0x28: {  	s2 =	sld [smem:$0x3FAD]  }
0x29: {  	s4 =	sld [smem:$0x3FAF]  }
0x2a: {  	p0 =	seq.s32 s5, $0x0;
	s5 =	sld [smem:$0x3FB0]  }
0x2b: {  	s6 =	sld [smem:$0x3FB1]  }
0x2c: {  	s7 =	sld [smem:$0x3FB2]  }
0x2d: {  	s3 =	simm.s32 $0x108;
	s8 =	sld [smem:$0x3FB3]  }
0x2e: {  	s3 =	simm.s32 @!p0 $0x1082;
	s9 =	sld [smem:$0x3FB4]  }
0x2f: {  	lr =	sadd.s32 s0, s3;
	s0 =	sld [smem:$0x3FAB]  }
0x30: {  	s3 =	sld [smem:$0x3FAE]  }
0x31: {  	[smem:$0x3FB7] =	sst s10  }
0x32: {  	s10 =	sld [smem:$0x3FB5];
	_ =	sdelay $0x3  }
0x33: {  	p0 =	seq.s32 s10, $0x1;
	s10 =	sld [smem:$0x3FB7];
	_ =	sdelay $0x3  }
0x34: {  	[smem:$0x3FB7] =	sst s10  }
0x35: {  	s10 =	sld [smem:$0x3FB6];
	_ =	sdelay $0x3  }
0x36: {  	p1 =	seq.s32 s10, $0x1;
	s10 =	sld [smem:$0x3FB7];
	_ =	sdelay $0x3  }
0x37: {  	[smem:$0x3FB7] =	sst s10  }
0x38: {  	s10 =	sld [smem:$0x3FB8]  }
0x39: {  	_ = 	snop;
	(pc) =	sbr.ind lr, $3  }
0x3a: {  	_ = 	snop  }
0x3b: {  	_ = 	snop  }
0x3c: {  	p2 =	seq.s32 s10, $0x1;
	s10 =	sld [smem:$0x3FB7]  }
0x3d: {  	_ =	shalt  }
0x3e: {  	_ =	shalt  }
0x3f: {  	_ =	shalt  }
0x40: {  	_ =	shalt  }
0x41: {  	_ =	shalt  }
0x42: {  	_ =	shalt  }
0x43: {  	_ =	shalt  }
0x44: {  	_ =	shalt  }
0x45: {  	_ =	shalt  }
0x46: {  	_ =	shalt  }
0x47: {  	_ =	shalt  }
0x48: {  	_ =	shalt  }
0x49: {  	_ =	shalt  }
0x4a: {  	_ =	shalt  }
0x4b: {  	_ =	shalt  }
0x4c: {  	_ =	shalt  }
0x4d: {  	_ =	shalt  }
0x4e: {  	_ =	shalt  }
0x4f: {  	_ =	shalt  }
0x50: {  	_ =	shalt  }
0x51: {  	_ =	shalt  }
0x52: {  	_ =	shalt  }
0x53: {  	_ =	shalt  }
0x54: {  	_ =	shalt  }
0x55: {  	_ =	shalt  }
0x56: {  	_ =	shalt  }
0x57: {  	_ =	shalt  }
0x58: {  	_ =	shalt  }
0x59: {  	_ =	shalt  }
0x5a: {  	_ =	shalt  }
0x5b: {  	_ =	shalt  }
0x5c: {  	_ =	shalt  }
0x5d: {  	_ =	shalt  }
0x5e: {  	_ =	shalt  }
0x5f: {  	_ =	shalt  }
0x60: {  	_ =	shalt  }
0x61: {  	_ =	shalt  }
0x62: {  	_ =	shalt  }
0x63: {  	_ =	shalt  }
0x64: {  	_ =	shalt  }
0x65: {  	_ =	shalt  }
0x66: {  	_ =	shalt  }
0x67: {  	_ =	shalt  }
0x68: {  	_ =	shalt  }
0x69: {  	_ =	shalt  }
0x6a: {  	_ =	shalt  }
0x6b: {  	_ =	shalt  }
0x6c: {  	_ =	shalt  }
0x6d: {  	_ =	shalt  }
0x6e: {  	_ =	shalt  }
0x6f: {  	_ =	shalt  }
0x70: {  	_ =	shalt  }
0x71: {  	_ =	shalt  }
0x72: {  	_ =	shalt  }
0x73: {  	_ =	shalt  }
0x74: {  	_ =	shalt  }
0x75: {  	_ =	shalt  }
0x76: {  	_ =	shalt  }
0x77: {  	_ =	shalt  }
0x78: {  	_ =	shalt  }
0x79: {  	_ =	shalt  }
0x7a: {  	_ =	shalt  }
0x7b: {  	_ =	shalt  }
0x7c: {  	_ =	shalt  }
0x7d: {  	_ =	shalt  }
0x7e: {  	_ =	shalt  }
0x7f: {  	_ =	shalt  }
0x80: {  	_ =	shalt  }
0x81: {  	_ =	shalt  }
0x82: {  	_ =	shalt  }
0x83: {  	_ =	shalt  }
0x84: {  	_ =	shalt  }
0x85: {  	_ =	shalt  }
0x86: {  	_ =	shalt  }
0x87: {  	_ =	shalt  }
.Lfunc_end0:
.L_simem_size_0:
called_computation.1_lowered:
.L_overlay_start_0:
0x88: {  	s2 =	sld [smem:$0x3FD9]  }
0x89: {  	s3 =	sld [smem:$0x3FFE];
	_ =	sdelay $0x1  }
0x8a: {  	s1 =	srdreg.scid  }
0x8b: {  	s0 =	sand.u32 $0x1, s1  }
0x8c: {  	s16 =	sshll.u32 s0, $0xA;
	s2 =	sadd.s32 s3, s2  }
0x8d: {  	s2 =	sadd.s32 s2, s16  }
0x8e: {  	[smem:$0x3FC3] =	sst s2  }
0x8f: {  	_ = 	snop  }
0x90: {  	(tm) =	ssettm $0x1  }
0x91: {  	s17 =	sld [smem:$0x3FFB];
	_ =	sdelay $0x3  }
0x92: {  	_ =	strace s17  }
0x93: {  	s2 =	sld [smem:$0x3FFC];
	_ =	sdelay $0x3  }
0x94: {  	_ =	strace s2  }
0x95: {  	s2 =	sld [smem:$0x3FFD];
	_ =	sdelay $0x3  }
0x96: {  	_ =	strace s2  }
0x97: {  	_ =	strace $0x8FFFFFFF  }
0x98: {  	s18 =	sld [smem:$0x3FDB];
	_ =	sdelay $0x1  }
0x99: {  	s19 =	simm.s32 $_scs_section_size  }
0x9a: {  	s4 =	simm.s32 $_size__tile_overlayer_lowered;
	s5 =	simm.s32 $_tile_overlayer_lowered  }
0x9b: {  	s22 =	simm.s32 $0x1BFF;
	s21 =	sshll.u32 s5, $0x1;
	s2 =	sadd.s32 s19, s18  }
0x9c: {  	s6 =	simm.s32 $0x0;
	s20 =	sshll.u32 s4, $0x1;
	s4 =	sadd.s32 s21, s2  }
0x9d: {  	[timem:s6], [sflag:s22] =	dma.local [hbm:s4], s20  }
0x9e: {  	_ =	swait.ge [sflag:s22], s20  }
0x9f: {  	s3 =	ssub.s32 $0x0, s20;
	[sflag:s22] =	ssyncset.done $0x0  }
0xa0: {  	[sflag:s22] =	ssyncadd.s32 s3;
	_ =	sdelay $0x1  }
0xa1: {  	s23 =	simm.s32 $0x1B8B  }
0xa2: {  	_ =	swait.ge [sflag:s23], $0x1  }
0xa3: {  	[sflag:s23] =	ssyncset.done $0x0  }
0xa4: {  	s25 =	simm.s32 $0x1B8E;
	s24 =	sld [smem:$0x3FFE];
	[sflag:s23] =	ssyncadd.s32 $0xFFFFFFFF  }
0xa5: {  	s26 =	simm.s32 $execute0_lowered;
	[smem:$0x3FD2] =	sst s25  }
0xa6: {  	s4 =	sshll.u32 s26, $0x1;
	_ =	strace $0x80000049;
	[dreg:$0x1] =	wrdreg $0xFFFFFFFF  }
0xa7: {  	s28 =	simm.s32 $_size_execute0_lowered;
	s2 =	sadd.s32 s2, s4;
	[dreg:$0x0] =	wrdreg $0x0  }
0xa8: {  	s4 =	sshll.u32 s28, $0x1;
	[dreg:$0x2] =	wrdreg s2  }
0xa9: {  	[dreg:$0x3] =	wrdreg s4  }
0xaa: {  	[dreg:$0x4] =	wrdreg $0xC0  }
0xab: {  	_ =	task [dreg:s6], $0x5FFFF  }
0xac: {  	[dreg:$0x1] =	wrdreg $0xFFFFFFFF  }
0xad: {  	[dreg:$0x0] =	wrdreg $0x60  }
0xae: {  	[dreg:$0x2] =	wrdreg s24  }
0xaf: {  	[dreg:$0x3] =	wrdreg $0x9  }
0xb0: {  	_ =	task.clear_ibuf [dreg:s6], $0x4FFFF;
	_ =	strace $0x90000049  }
0xb1: {  	s29 =	simm.s32 $0x9;
	_ =	strace $0x8000004B  }
0xb2: {  	_ =	swait.ge [sflag:s29], $0x1  }
0xb3: {  	[sflag:s29] =	ssyncadd.s32 $0xFFFFFFFF  }
0xb4: {  	_ =	strace $0x9000004B  }
0xb5: {  	_ =	sfence  }
0xb6: {  	s30 =	sld [smem:$0x0];
	_ =	sdelay $0x2  }
0xb7: {  	s31 =	sshll.u32 s1, $0xD;
	s1 =	sshrl.u32 s1, $0x2  }
0xb8: {  	s3 =	sand.u32 $0x4000, s31;
	s1 =	sadd.s32 s1, s30  }
0xb9: {  	s0 =	sor.u32 s3, s0;
	s1 =	sshll.u32 s1, $0x11  }
0xba: {  	s0 =	sor.u32 s1, s0  }
0xbb: {  	s0 =	sadd.s32 $0x8F2B, s0  }
0xbc: {  	[sflag:s0] =	ssyncadd.remote.s32 $0x1  }
0xbd: {  	_ =	sfence.sel $0xFFFF  }
0xbe: {  	[dreg:$0x0] =	wrdreg $0xFFFFFFFF;
	(pc) =	sbr.abs _section_cstart, $3  }
0xbf: {  	[dreg:$0x1] =	wrdreg $0xFFFFFFFF  }
0xc0: {  	_ =	task.clear_ibuf [dreg:s6], $0x2FFFF;
	_ =	strace $0x9FFFFFFF  }
0xc1: {  	(tm) =	ssettm $0x7FFFFFFF  }
tec
execute0_lowered:
.L_overlay_start_1:
0x0: {  	(tag) =	ssettag $0x1  }
0x1: {  	s4 =	rddreg [dreg:$0x0]  }
0x2: {  	s0 =	rddreg [dreg:$0x1]  }
0x3: {  	s3 =	srdreg.scid;
	s1 =	stileid.u32;
	s2 =	simm.s32 $0x0  }
0x4: {  	s11 =	simm.s32 $0x20;
	s12 =	simm.s32 $0x40;
	s13 =	simm.s32 $0x1  }
0x5: {  	s14 =	simm.s32 $0x60;
	s15 =	simm.s32 $0x0;
	s3 =	sand.u32 $0x1, s3  }
0x6: {  	s5 =	sshll.u32 s1, $0x1;
	[smem:$0x7FF] =	sst s2;
	s31 =	sshrl.u32 s1, $0x3  }
0x7: {  	s5 =	sor.u32 s3, s5;
	_ =	strace $0x8000004A;
	s8 =	ssub.s32 $0x2, s3  }
0x8: {  	s7 =	sand.u32 $0xF, s5;
	s5 =	smul.u32 $0xC0, s5;
	s9 =	sshrl.u32 s8, $0x1  }
0x9: {  	s3 =	sadd.s32 $0x44D800, s4;
	s6 =	sshll.u32 s7, $0x2;
	s9 =	ssub.s32 s8, s9  }
0xa: {  	s7 =	smul.u32 $0x213400, s7;
	s6 =	sadd.s32 s6, s4;
	s10 =	sadd.s32 s5, s4  }
0xb: {  	s4 =	smul.u32 $0x30, s31;
	s9 =	smax.u32 s9, $0x1;
	s5 =	sadd.s32 $0x44D400, s6  }
0xc: {  	s6 =	sadd.s32 $0x44D600, s6;
	s8 =	sadd.s32 $0x1400, s10;
	s10 =	simm.s32 $0x2  }
.LBB2_1:
0xd: {  	[tilespmem:s2], [sflag:$0x2] =	stream.linear.gather [hbm4b:s5+s2], $0x20, $0x38;
	[tilespmem:$0x660] =	vst v63  }
0xe: {  	_ =	swait.ge [sflag:s10], $0x20  }
0xf: {  	[sflag:s10] =	ssyncset.done $0x0  }
0x10: {  	[sflag:s10] =	ssyncadd.s32 $0xFFFFFFE0  }
0x11: {  	[tilespmem:s11], [sflag:$0x2] =	stream.linear.gather [hbm4b:s6+s2], $0x20, $0x38;
	[tilespmem:$0x660] =	vst v63  }
0x12: {  	_ =	swait.ge [sflag:s10], $0x20  }
0x13: {  	[sflag:s10] =	ssyncset.done $0x0  }
0x14: {  	[sflag:s10] =	ssyncadd.s32 $0xFFFFFFE0  }
0x15: {  	v0 =	vld [tilespmem:$0x0]  }
0x16: {  	v1 =	vld [tilespmem:$0x10]  }
0x17: {  	s16 =	sadd.s32 $0x0, s4;
	v2 =	vld [tilespmem:$0x20]  }
0x18: {  	p0 =	slt.s32 s16, $0x54;
	v3 =	vld [tilespmem:$0x30]  }
0x19: {  	s16 =	simm.s32 @!p0 $0x54  }
0x1a: {  	s16 =	smul.u32 $0x6400, s16;
	v0 =	vmul.u32 $0xA0, v0  }
0x1b: {  	v1 =	vmul.u32 $0xA0, v1  }
0x1c: {  	s18 =	sadd.s32 $0x1, s4;
	s16 =	sadd.s32 s7, s16;
	v0 =	vadd.s32 v2, v0  }
0x1d: {  	p0 =	slt.s32 s18, $0x54;
	s16 =	sshrl.u32 s16, $0x3;
	v63 =	vadd.s32 v3, v1;
	[tilespmem:$0x40] =	vst v0  }
0x1e: {  	s18 =	simm.s32 @!p0 $0x54;
	s16 =	sadd.s32 s3, s16;
	[tilespmem:$0x50] =	vst v63  }
0x1f: {  	[tilespmem:s14], [sflag:$0x1] =	stream.indirect.gather [hbm4b:s16+s11], $0x1, s12, s11, $0xb8;
	[tilespmem:$0x660] =	vst v63  }
0x20: {  	s17 =	simm.s32 $0x2;
	s18 =	smul.u32 $0x6400, s18;
	s16 =	simm.s32 $0x60  }
.LBB2_2:
0x21: {  	s19 =	sadd.s32 s17, s4;
	p1 =	sne.s32 s17, $0x2F  }
.Ltmp0:
0x22: {  	p0 =	slt.s32 s19, $0x54;
	s18 =	sadd.s32 s7, s18;
	(pc) =	sbr.rel @p1 .LBB2_2-.Ltmp0, $4  }
0x23: {  	s17 =	sadd.s32 $0x1, s17;
	s18 =	sshrl.u32 s18, $0x3  }
0x24: {  	s16 =	sadd.s32 $0x20, s16;
	s19 =	simm.s32 @!p0 $0x54;
	s18 =	sadd.s32 s3, s18  }
0x25: {  	[tilespmem:s16], [sflag:$0x1] =	stream.indirect.gather [hbm4b:s18+s11], $0x1, s12, s11, $0xb8;
	[tilespmem:$0x660] =	vst v63  }
0x26: {  	s18 =	smul.u32 $0x6400, s19  }
0x27: {  	_ = 	snop  }
0x28: {  	s17 =	sadd.s32 s7, s18  }
0x29: {  	s17 =	sshrl.u32 s17, $0x3  }
0x2a: {  	s16 =	sadd.s32 $0x20, s16;
	s17 =	sadd.s32 s3, s17  }
0x2b: {  	[tilespmem:s16], [sflag:$0x1] =	stream.indirect.gather [hbm4b:s17+s11], $0x1, s12, s11, $0xb8;
	[tilespmem:$0x660] =	vst v63  }
0x2c: {  	_ =	swait.ge [sflag:s13], $0x20  }
0x2d: {  	s16 =	simm.s32 $0x2F;
	[sflag:s13] =	ssyncset.done $0x0  }
.LBB2_4:
0x2e: {  	p0 =	sne.s32 s16, $0x1;
	s16 =	sadd.s32 $0xFFFFFFFF, s16;
	[sflag:s13] =	ssyncadd.s32 $0xFFFFFFE0  }
.Ltmp1:
0x2f: {  	(pc) =	sbr.rel @p0 .LBB2_4-.Ltmp1, $3  }
0x30: {  	_ =	sdelay $0x1  }
0x31: {  	_ =	swait.ge [sflag:s13], $0x20  }
0x32: {  	[sflag:s13] =	ssyncset.done $0x0  }
0x33: {  	s15 =	sadd.s32 $0x1, s15  }
0x34: {  	p0 =	sne.s32 s15, s9  }
.Ltmp2:
0x35: {  	[sflag:s13] =	ssyncadd.s32 $0xFFFFFFE0;
	(pc) =	sbr.rel @p0 .LBB2_1-.Ltmp2, $4  }
0x36: {  	[hbm4b:s8+s2] =	stream.linear.scatter [tilespmem:s14], [sflag:$0x2], $0x600, $0x38;
	[tilespmem:$0x660] =	vst v63  }
0x37: {  	_ =	swait.ge [sflag:s10], $0x600  }
0x38: {  	[sflag:s10] =	ssyncset.done $0x0  }
0x39: {  	[sflag:s10] =	ssyncadd.s32 $0xFFFFFA00  }
0x3a: {  	_ =	sfence.sel $0x180000  }
0x3b: {  	[bflag:$0x0] =	sbarrier.arrive $0xFFFF  }
0x3c: {  	p0 =	sne.s32 s1, $0x0;
	_ =	strace $0x9000004A  }
0x3d: {  	s0 =	sadd.s32 @!p0 $0x100000, s0;
	[bflag:$0x2] =	sbarrier.arrive $0xFFFF  }
0x3e: {  	[sflag:s0] =	ssyncadd.tile.s32 @!p0 $0x1;
	_ =	shalt  }
.Lfunc_end2:
_tile_overlayer_lowered:
.L_overlay_start_2:
0x3f: {  	(tag) =	ssettag $0x2  }
0x40: {  	s0 =	rddreg [dreg:$0x0];
	s2 =	stileid.u32  }
0x41: {  	s1 =	rddreg [dreg:$0x1];
	p0 =	sne.s32 s2, $0x0  }
0x42: {  	s3 =	rddreg [dreg:$0x2];
	[bflag:$0x3] =	sbarrier.arrive $0xFFFF;
	s2 =	simm.s32 @!p0 $0x1C02  }
0x43: {  	[timem:s3], [sflag:s2] =	dma.local @!p0 [hbm:s0], s1  }
0x44: {  	s0 =	simm.s32 @!p0 $0x2  }
0x45: {  	_ =	swait.ge @!p0 [sflag:s0], s1  }
0x46: {  	s1 =	ssub.s32 @!p0 $0x0, s1;
	[sflag:s0] =	ssyncset.done @!p0 $0x0  }
0x47: {  	[sflag:s0] =	ssyncadd.s32 @!p0 s1  }
0x48: {  	[bflag:$0x3] =	sbarrier.arrive $0xFFFF  }
0x49: {  	_ =	shalt  }

// kernel: sparse-core-data-format-call.cloned.1.call-start
scs
called_computation_lowered:
.L_overlay_start_0:
0x0: {  	s2 =	sld [smem:$0x3FD9]  }
0x1: {  	s3 =	sld [smem:$0x3FFE];
	_ =	sdelay $0x1  }
0x2: {  	s1 =	srdreg.scid  }
0x3: {  	s0 =	sand.u32 $0x1, s1  }
0x4: {  	s18 =	sshll.u32 s0, $0xA;
	s2 =	sadd.s32 s3, s2  }
0x5: {  	s2 =	sadd.s32 s2, s18  }
0x6: {  	[smem:$0x3FC3] =	sst s2  }
0x7: {  	_ = 	snop  }
0x8: {  	s2 =	sld [smem:$0x3FC9];
	(tm) =	ssettm $0x1  }
0x9: {  	s19 =	sld [smem:$0x3FFB];
	_ =	sdelay $0x3  }
0xa: {  	_ =	strace s19  }
0xb: {  	s3 =	sld [smem:$0x3FFC];
	_ =	sdelay $0x3  }
0xc: {  	_ =	strace s3  }
0xd: {  	s3 =	sld [smem:$0x3FFD];
	_ =	sdelay $0x3  }
0xe: {  	_ =	strace s3  }
0xf: {  	_ =	strace $0x8FFFFFFF  }
0x10: {  	s20 =	sld [smem:$0x3FDB];
	_ =	sdelay $0x1  }
0x11: {  	s4 =	simm.s32 $_scs_section_size  }
0x12: {  	s5 =	simm.s32 $_size__tile_overlayer_lowered;
	s6 =	simm.s32 $_tile_overlayer_lowered  }
0x13: {  	s23 =	simm.s32 $0x1BFF;
	s22 =	sshll.u32 s6, $0x1;
	s3 =	sadd.s32 s4, s20  }
0x14: {  	s7 =	simm.s32 $0x0;
	s21 =	sshll.u32 s5, $0x1;
	s5 =	sadd.s32 s22, s3  }
0x15: {  	[timem:s7], [sflag:s23] =	dma.local [hbm:s5], s21  }
0x16: {  	_ =	swait.ge [sflag:s23], s21  }
0x17: {  	s4 =	ssub.s32 $0x0, s21;
	[sflag:s23] =	ssyncset.done $0x0  }
0x18: {  	[sflag:s23] =	ssyncadd.s32 s4;
	_ =	sdelay $0x1  }
0x19: {  	s24 =	simm.s32 $0x1B8B  }
0x1a: {  	_ =	swait.ge [sflag:s24], $0x1  }
0x1b: {  	[sflag:s24] =	ssyncset.done $0x0  }
0x1c: {  	s26 =	simm.s32 $0x1B8E;
	s25 =	sld [smem:$0x3FFE];
	[sflag:s24] =	ssyncadd.s32 $0xFFFFFFFF  }
0x1d: {  	s27 =	simm.s32 $execute0_lowered;
	[smem:$0x3FD2] =	sst s26  }
0x1e: {  	s5 =	sshll.u32 s27, $0x1;
	_ =	strace $0x80000046;
	[dreg:$0x1] =	wrdreg $0xFFFFFFFF  }
0x1f: {  	s28 =	simm.s32 $_size_execute0_lowered;
	s3 =	sadd.s32 s3, s5;
	[dreg:$0x0] =	wrdreg $0x0  }
0x20: {  	s5 =	sshll.u32 s28, $0x1;
	[dreg:$0x2] =	wrdreg s3  }
0x21: {  	[dreg:$0x3] =	wrdreg s5  }
0x22: {  	[dreg:$0x4] =	wrdreg $0xC0  }
0x23: {  	_ =	task [dreg:s7], $0x5FFFF  }
0x24: {  	[dreg:$0x1] =	wrdreg $0xFFFFFFFF  }
0x25: {  	[dreg:$0x0] =	wrdreg $0x60  }
0x26: {  	[dreg:$0x2] =	wrdreg s2  }
0x27: {  	[dreg:$0x3] =	wrdreg s25  }
0x28: {  	[dreg:$0x4] =	wrdreg $0x9  }
0x29: {  	_ =	task.clear_ibuf [dreg:s7], $0x5FFFF;
	_ =	strace $0x90000046  }
0x2a: {  	s29 =	simm.s32 $0x9;
	_ =	strace $0x80000048  }
0x2b: {  	_ =	swait.ge [sflag:s29], $0x1  }
0x2c: {  	[sflag:s29] =	ssyncadd.s32 $0xFFFFFFFF  }
0x2d: {  	_ =	strace $0x90000048  }
0x2e: {  	_ =	sfence  }
0x2f: {  	s30 =	sld [smem:$0x0];
	_ =	sdelay $0x2  }
0x30: {  	s31 =	sshll.u32 s1, $0xD;
	s1 =	sshrl.u32 s1, $0x2  }
0x31: {  	s3 =	sand.u32 $0x4000, s31;
	s1 =	sadd.s32 s1, s30  }
0x32: {  	s0 =	sor.u32 s3, s0;
	s1 =	sshll.u32 s1, $0x11  }
0x33: {  	s0 =	sor.u32 s1, s0  }
0x34: {  	s0 =	sadd.s32 $0x8F2B, s0  }
0x35: {  	[sflag:s0] =	ssyncadd.remote.s32 $0x1  }
0x36: {  	_ =	sfence.sel $0xFFFF  }
0x37: {  	[dreg:$0x0] =	wrdreg $0xFFFFFFFF;
	(pc) =	sbr.abs _section_cstart, $3  }
0x38: {  	[dreg:$0x1] =	wrdreg $0xFFFFFFFF  }
0x39: {  	_ =	task.clear_ibuf [dreg:s7], $0x2FFFF;
	_ =	strace $0x9FFFFFFF  }
0x3a: {  	(tm) =	ssettm $0x7FFFFFFF  }
0x3b: {  	_ =	shalt  }
tec
execute0_lowered:
.L_overlay_start_1:
0x0: {  	(tag) =	ssettag $0x1  }
0x1: {  	s1 =	rddreg [dreg:$0x0];
	s0 =	srdreg.scid  }
0x2: {  	s3 =	rddreg [dreg:$0x1];
	s4 =	simm.s32 $0x1;
	s7 =	simm.s32 $0x2  }
0x3: {  	s14 =	simm.s32 $0x0;
	p0 =	por $0x0, $0x0;
	s15 =	simm.s32 $0x0  }
0x4: {  	s9 =	simm.s32 $0x0;
	s10 =	simm.s32 $0x0;
	s2 =	sshll.u32 s0, $0x7  }
0x5: {  	s12 =	stileid.u32;
	s13 =	simm.s32 $0x0;
	s2 =	sand.u32 $0x80, s2  }
.Ltmp0:
0x6: {  	s0 =	rddreg [dreg:$0x2];
	s6 =	ssub.s32 $0x6400, s2;
	(pc) =	sbr.rel .LBB1_1-.Ltmp0, $4  }
0x7: {  	_ =	strace $0x80000047;
	s5 =	sadd.s32 $0x1400, s3;
	s31 =	sshrl.u32 s6, $0x7  }
0x8: {  	[sflag:s4] =	ssyncpa.u1 $0x0;
	s6 =	sshrl.u32 s6, $0x8;
	s8 =	sand.u32 $0x1, s31  }
0x9: {  	s3 =	stileid.u32;
	[sflag:s7] =	ssyncpa.u1 $0x0;
	s6 =	sadd.s32 s6, s8  }
0xa: {  	s11 =	smov.u32 s2;
	s8 =	simm.s32 $0x32000;
	s7 =	sadd.s32 $0x1, s6  }
.LBB1_4:
0xb: {  	s21 =	sshll.u32 s9, $0x3;
	s22 =	sand.u32 $0x7F, s9  }
0xc: {  	s20 =	sshra.s32 s20, $0x2;
	p1 =	sgt.s32 s10, $0xF;
	s24 =	smov.u32 s10  }
0xd: {  	s25 =	sshra.s32 s10, $0x1F;
	s27 =	smul.u32 $0x44C00, s10;
	s23 =	sand.u32 $0xFFFFFC00, s21  }
0xe: {  	s21 =	smulhi.u32 $0x51EB851F, s21;
	s24 =	simm.s32 @!p1 $0xF;
	s25 =	sand.u32 s25, s10  }
0xf: {  	v5 =	vld [tilespmem:s17+$0xFFFFFFD0];
	[tilespmem:s18+$0x2040 ss:$0x81] =	vst.msk $0xffff, v4;
	s19 =	sadd.s32 s20, s19;
	p1 =	sgt.s32 s9, $0x6380;
	s22 =	sor.u32 s22, s23  }
0x10: {  	v58 =	vld [tilespmem:s17+$0xFFFFFFE0];
	[tilespmem:s18+$0x2850 ss:$0x81] =	vst.msk $0xffff, v3;
	s28 =	ssub.s32 s24, s25;
	s23 =	smulhi.u32 $0x51EB851F, s22;
	s21 =	sshrl.u32 s21, $0xD  }
0x11: {  	v59 =	vld [tilespmem:s17+$0xFFFFFFF0];
	[tilespmem:s18+$0x3060 ss:$0x81] =	vst.msk $0xffff, v2;
	s20 =	smov.u32 s9;
	s30 =	ssub.s32 $0x10, s28;
	s26 =	smulhi.u32 $0x2E8BA2F, s21  }
0x12: {  	v60 =	vld [tilespmem:s17+$0x0];
	[tilespmem:s18+$0x0 ss:$0x81] =	vst.msk $0xffff, v1;
	s31 =	sshra.s32 s9, $0x1F;
	s20 =	simm.s32 @!p1 $0x6380;
	s18 =	smul.u32 $0x58, s30  }
0x13: {  	v61 =	vld [tilespmem:s17+$0x10];
	[tilespmem:s19+$0x3870 ss:$0x81] =	vst.msk $0xffff, v0;
	s25 =	sadd.s32 $0xFFFFFFF1, s28;
	s29 =	smul.u32 $0x58, s26;
	s26 =	sand.u32 s31, s9  }
0x14: {  	v62 =	vld [tilespmem:s17+$0x20];
	p1 =	sgt.s32 s25, $0x0;
	s23 =	sshrl.u32 s23, $0xD;
	[tilespmem:s19+$0x810 ss:$0x81] =	vst.msk $0xffff, v5;
	s20 =	ssub.s32 s20, s26  }
0x15: {  	v63 =	vld [tilespmem:s17+$0xFFFFFFC0];
	[tilespmem:s19+$0x1020 ss:$0x81] =	vst.msk $0xffff, v58;
	s23 =	smul.u32 $0x6400, s23;
	s18 =	simm.s32 @p1 $0x0;
	s26 =	sadd.s32 $0xFFFF9C80, s20  }
0x16: {  	[tilespmem:s19+$0x1830 ss:$0x81] =	vst.msk $0xffff, v59;
	s25 =	ssub.s32 s21, s29;
	s20 =	ssub.s32 $0x6400, s20;
	p1 =	sgt.s32 s26, $0x7F  }
0x17: {  	[tilespmem:s19+$0x2040 ss:$0x81] =	vst.msk $0xffff, v60;
	s22 =	ssub.s32 s22, s23;
	s17 =	smul.u32 $0xC80, s25;
	s20 =	simm.s32 @p1 $0x0  }
0x18: {  	s28 =	sadd.s32 s5, s27;
	[tilespmem:s19+$0x2850 ss:$0x81] =	vst.msk $0xffff, v61;
	s29 =	sand.u32 $0x7, s22;
	s18 =	smul.u32 s20, s18  }
0x19: {  	[tilespmem:s19+$0x3060 ss:$0x81] =	vst.msk $0xffff, v62;
	s30 =	sshrl.u32 s22, $0x3;
	s21 =	sshll.u32 s29, $0x12;
	s17 =	sadd.s32 s17, s28  }
0x1a: {  	[tilespmem:s19+$0x0 ss:$0x81] =	vst.msk $0xffff, v63;
	s31 =	sor.u32 $0x400, s21;
	s17 =	sadd.s32 s30, s17;
	s18 =	sand.u32 $0x3FFFFFF8, s18  }
0x1b: {  	[hbm4b:s17+s31] =	stream.strided.scatter [tilespmem:s16], [sflag:$0x2], s18, s8, s31, $0x20;
	[tilespmem:$0x10100] =	vst v63  }
.LBB1_5:
0x1c: {  	p1 =	slt.u32 s13, $0x2  }
0x1d: {  	s17 =	smov.u32 s15;
	p2 =	sgt.s32 @!p1 s15, $0xF;
	s16 =	sshra.s32 @!p1 s15, $0x1F  }
0x1e: {  	p3 =	sgt.s32 @!p1 s14, $0x6380;
	s18 =	sshra.s32 @!p1 s14, $0x1F;
	p2 =	por !p2, p1  }
0x1f: {  	s15 =	sand.u32 @!p1 s16, s15;
	p3 =	por !p3, p1;
	s16 =	smov.u32 s14  }
0x20: {  	s14 =	sand.u32 @!p1 s18, s14;
	s17 =	simm.s32 @p2 $0xF;
	s16 =	simm.s32 @p3 $0x6380  }
0x21: {  	s18 =	smov.u32 s12;
	s15 =	ssub.s32 @!p1 s17, s15;
	s14 =	ssub.s32 @!p1 s16, s14  }
0x22: {  	s16 =	sadd.s32 @!p1 $0xFFFFFFF1, s15;
	s15 =	ssub.s32 @!p1 $0x10, s15;
	s17 =	sadd.s32 @!p1 $0xFFFF9C80, s14  }
0x23: {  	p2 =	sgt.s32 @!p1 s16, $0x0;
	s15 =	smul.u32 @!p1 $0x58, s15;
	p3 =	sgt.s32 @!p1 s17, $0x7F  }
0x24: {  	s14 =	ssub.s32 @!p1 $0x6400, s14;
	p2 =	por !p2, p1;
	p3 =	por !p3, p1  }
0x25: {  	s16 =	sadd.s32 $0x100, s11;
	s15 =	simm.s32 @!p2 $0x0;
	s14 =	simm.s32 @!p3 $0x0  }
0x26: {  	p2 =	sgt.s32 s16, $0x63FF;
	s14 =	smul.u32 @!p1 s14, s15;
	s15 =	sadd.s32 $0x10, s12  }
0x27: {  	s18 =	smov.u32 @p2 s15  }
0x28: {  	s16 =	smov.u32 @p2 s2;
	p2 =	sgt.s32 s18, $0xF  }
0x29: {  	s18 =	smov.u32 @p2 s3;
	p2 =	sne.s32 s13, s7  }
.Ltmp1:
0x2a: {  	p0 =	por !p0, !p0;
	s17 =	simm.s32 @!p1 $0x2;
	(pc) =	sbr.rel @!p2 .LBB1_6-.Ltmp1, $4  }
0x2b: {  	s15 =	smov.u32 s10;
	s10 =	smov.u32 s12;
	s14 =	sand.u32 @!p1 $0x3FFFFFF8, s14  }
0x2c: {  	_ =	swait.ge @!p1 [sflag:s17], s14;
	s19 =	ssub.s32 @!p1 $0x0, s14;
	s14 =	smov.u32 s9  }
0x2d: {  	s13 =	sadd.s32 $0x1, s13;
	s9 =	smov.u32 s11;
	[sflag:s17] =	ssyncset.done @!p1 $0x0  }
0x2e: {  	s11 =	smov.u32 s16;
	s12 =	smov.u32 s18;
	[sflag:s17] =	ssyncadd.s32 @!p1 s19  }
.LBB1_1:
0x2f: {  	p1 =	sge.u32 s13, s6  }
0x30: {  	s16 =	sand.u32 @!p1 $0x1FFFFFF, s11  }
0x31: {  	s17 =	smulhi.u32 @!p1 $0x147AE15, s16;
	_ =	sdelay $0x1  }
0x32: {  	s17 =	sshrl.u32 @!p1 s17, $0x7  }
0x33: {  	s17 =	smul.u32 @!p1 $0x6400, s17  }
0x34: {  	s18 =	smul.u32 @!p1 $0x64000, s12  }
0x35: {  	s31 =	sadd.s32 $0xFFFFFFFF, s13;
	s16 =	ssub.s32 @!p1 s16, s17;
	s17 =	sxor.u32 @!p1 $0xFFFFFFFF, s13  }
0x36: {  	s18 =	sadd.s32 @!p1 s1, s18;
	s17 =	sshll.u32 @!p1 s17, $0xE;
	s16 =	sshll.u32 @!p1 s16, $0x4  }
0x37: {  	s17 =	sand.u32 @!p1 $0x4000, s17;
	s16 =	sadd.s32 @!p1 s16, s18;
	s18 =	simm.s32 @!p1 $0x0  }
0x38: {  	[tilespmem:s17], [sflag:$0x1] =	stream.linear.gather @!p1 [hbm4b:s16+s18], $0x4000, $0x38;
	[tilespmem:$0x10100] =	vst v63  }
0x39: {  	p1 =	sge.u32 s31, s6  }
.Ltmp2:
0x3a: {  	_ = 	snop;
	(pc) =	sbr.rel @p1 .LBB1_5-.Ltmp2, $1  }
0x3b: {  	_ =	sdelay $0x3  }
0x3c: {  	s16 =	simm.s32 $0x1  }
0x3d: {  	_ =	swait.ge [sflag:s4], $0x4000;
	s16 =	simm.s32 @!p0 $0x0  }
0x3e: {  	[sflag:s4] =	ssyncset.done $0x0;
	s17 =	sshll.u32 s16, $0xE  }
0x3f: {  	[sflag:s4] =	ssyncadd.s32 $0xFFFFC000;
	s17 =	sor.u32 $0x40, s17  }
0x40: {  	s16 =	smul.u32 $0x10200, s16;
	v0 =	vld [tilespmem:s17+$0x30]  }
0x41: {  	v1 =	vld [tilespmem:s17+$0xFFFFFFD0]  }
0x42: {  	s16 =	sshrl.u32 s16, $0x2;
	v5 =	vld [tilespmem:s17+$0xFFFFFFE0]  }
0x43: {  	v6 =	vld [tilespmem:s17+$0xFFFFFFF0];
	s19 =	sor.u32 $0x8000, s16  }
0x44: {  	s31 =	sand.u32 $0x1, s13;
	v4 =	vld [tilespmem:s17+$0x0];
	s18 =	sadd.s32 $0x0, s19  }
0x45: {  	v3 =	vld [tilespmem:s17+$0x10];
	s16 =	smul.u32 $0x10200, s31;
	[tilespmem:s18+$0x3870 ss:$0x81] =	vst.msk $0xffff, v0  }
0x46: {  	v2 =	vld [tilespmem:s17+$0x20];
	[tilespmem:s18+$0x810 ss:$0x81] =	vst.msk $0xffff, v1  }
0x47: {  	s16 =	sshrl.u32 s16, $0x2;
	v1 =	vld [tilespmem:s17+$0xFFFFFFC0];
	[tilespmem:s18+$0x1020 ss:$0x81] =	vst.msk $0xffff, v5;
	s17 =	sadd.s32 $0x80, s17  }
0x48: {  	s20 =	simm.s32 $0x4;
	s21 =	simm.s32 $0x8;
	s16 =	sor.u32 $0x8000, s16;
	[tilespmem:s18+$0x1830 ss:$0x81] =	vst.msk $0xffff, v6;
	v0 =	vld [tilespmem:s17+$0x30]  }
.LBB1_3:
0x49: {  	p1 =	sne.s32 s21, $0x1FC;
	v5 =	vld [tilespmem:s17+$0xFFFFFFD0];
	[tilespmem:s18+$0x2040 ss:$0x81] =	vst.msk $0xffff, v4  }
0x4a: {  	v6 =	vld [tilespmem:s17+$0xFFFFFFE0];
	[tilespmem:s18+$0x2850 ss:$0x81] =	vst.msk $0xffff, v3  }
0x4b: {  	s22 =	sshra.s32 s20, $0x2;
	s20 =	smov.u32 s21;
	v7 =	vld [tilespmem:s17+$0xFFFFFFF0];
	[tilespmem:s18+$0x3060 ss:$0x81] =	vst.msk $0xffff, v2  }
.Ltmp3:
0x4c: {  	v4 =	vld [tilespmem:s17+$0x0];
	[tilespmem:s18+$0x0 ss:$0x81] =	vst.msk $0xffff, v1;
	s18 =	sadd.s32 s22, s19;
	(pc) =	sbr.rel @p1 .LBB1_3-.Ltmp3, $4  }
0x4d: {  	v3 =	vld [tilespmem:s17+$0x10];
	[tilespmem:s18+$0x3870 ss:$0x81] =	vst.msk $0xffff, v0  }
0x4e: {  	[tilespmem:s18+$0x810 ss:$0x81] =	vst.msk $0xffff, v5;
	v2 =	vld [tilespmem:s17+$0x20]  }
0x4f: {  	v1 =	vld [tilespmem:s17+$0xFFFFFFC0];
	[tilespmem:s18+$0x1020 ss:$0x81] =	vst.msk $0xffff, v6;
	s17 =	sadd.s32 $0x80, s17  }
0x50: {  	s21 =	sadd.s32 $0x4, s21;
	v0 =	vld [tilespmem:s17+$0x30];
	[tilespmem:s18+$0x1830 ss:$0x81] =	vst.msk $0xffff, v7  }
.Ltmp4:
0x51: {  	_ = 	snop;
	(pc) =	sbr.rel .LBB1_4-.Ltmp4, $1  }
0x52: {  	_ =	sdelay $0x3  }
.LBB1_6:
0x53: {  	_ =	sfence.sel $0x180000  }
0x54: {  	s1 =	simm.s32 $0x1;
	[bflag:$0x0] =	sbarrier.arrive $0xFFFF  }
0x55: {  	s31 =	simm.s32 $0x2;
	[sflag:s1] =	ssyncpa.u1 $0x1  }
0x56: {  	[sflag:s31] =	ssyncpa.u1 $0x1  }
0x57: {  	p0 =	sne.s32 s3, $0x0;
	_ =	strace $0x90000047  }
0x58: {  	s0 =	sadd.s32 @!p0 $0x100000, s0;
	[bflag:$0x2] =	sbarrier.arrive $0xFFFF  }
0x59: {  	[sflag:s0] =	ssyncadd.tile.s32 @!p0 $0x1;
	_ =	shalt  }
.Lfunc_end1:
_tile_overlayer_lowered:
.L_overlay_start_2:
0x5a: {  	(tag) =	ssettag $0x2  }
0x5b: {  	s0 =	rddreg [dreg:$0x0];
	s2 =	stileid.u32  }
0x5c: {  	s1 =	rddreg [dreg:$0x1];
	p0 =	sne.s32 s2, $0x0  }
0x5d: {  	s3 =	rddreg [dreg:$0x2];
	[bflag:$0x3] =	sbarrier.arrive $0xFFFF;
	s2 =	simm.s32 @!p0 $0x1C01  }
0x5e: {  	[timem:s3], [sflag:s2] =	dma.local @!p0 [hbm:s0], s1  }
0x5f: {  	s0 =	simm.s32 @!p0 $0x1  }
0x60: {  	_ =	swait.ge @!p0 [sflag:s0], s1  }
0x61: {  	s1 =	ssub.s32 @!p0 $0x0, s1;
	[sflag:s0] =	ssyncset.done @!p0 $0x0  }
0x62: {  	[sflag:s0] =	ssyncadd.s32 @!p0 s1  }
0x63: {  	[bflag:$0x3] =	sbarrier.arrive $0xFFFF  }
0x64: {  	_ =	shalt  }

</sc_bundles>
